<compile_context>
chip_gen: v7x
topology: tpu7x:2x2x1
jax: 0.10.2.dev20260603
libtpu: 0.0.44.dev20260713+nightly
codegen_flags: <defaults>
</compile_context>

<pallas_src>
import functools

import jax
import jax.numpy as jnp
from jax import lax
from jax.experimental import pallas as pl
from jax.experimental.pallas import tpu as pltpu
from jax.experimental.pallas import tpu_sc as plsc

N = 10000
E = 320000
IN_CH = 128
HID_CH = 256
OUT_CH = 128
BN_EPS = 1e-5

NC = 2
NS = 16
EPS_SC = E // NS
CHUNK = 125
NCHUNK = EPS_SC // CHUNK
RPT = N // NS
DH = IN_CH // NC
CW = 8


def _make_segsum(with_counts):
    mesh = plsc.VectorSubcoreMesh(core_axis_name="c", subcore_axis_name="s")

    out_type = [jax.ShapeDtypeStruct((N, IN_CH), jnp.bfloat16)]
    scratch = [
        pltpu.VMEM((NCHUNK, CHUNK), jnp.int32),
        pltpu.VMEM((NCHUNK, CHUNK), jnp.int32),
        pltpu.VMEM((8, CHUNK, DH), jnp.bfloat16),
        pltpu.VMEM_SHARED((N, DH), jnp.bfloat16),
        pltpu.SemaphoreType.DMA,
        pltpu.SemaphoreType.DMA,
    ]
    if with_counts:
        out_type.append(jax.ShapeDtypeStruct((N, CW), jnp.float32))
        scratch += [
            pltpu.VMEM((CHUNK, CW), jnp.float32),
            pltpu.VMEM_SHARED((N, CW), jnp.float32),
        ]

    @functools.partial(
        pl.kernel,
        out_type=tuple(out_type),
        mesh=mesh,
        compiler_params=pltpu.CompilerParams(use_tc_tiling_on_sc=False),
        scratch_types=scratch,
    )
    def seg(x_hbm, src0_hbm, src1_hbm, dst_hbm, zeros_hbm, zeros8_hbm,
            ones8_hbm, out_hbm, *rest):
        if with_counts:
            (cnt_hbm, src_v, dst_v, rows3, acc, gsem, ssem,
             ones_v, acc2) = rest
        else:
            src_v, dst_v, rows3, acc, gsem, ssem = rest
        c = lax.axis_index("c")
        s = lax.axis_index("s")
        xc = x_hbm
        pltpu.sync_copy(zeros_hbm.at[pl.ds(s * RPT, RPT)],
                        acc.at[pl.ds(s * RPT, RPT)])
        @pl.when(c == 0)
        def _():
            pltpu.sync_copy(src0_hbm.at[s], src_v)

        @pl.when(c == 1)
        def _():
            pltpu.sync_copy(src1_hbm.at[s], src_v)

        pltpu.sync_copy(dst_hbm.at[s], dst_v)
        if with_counts:
            pltpu.sync_copy(ones8_hbm, ones_v)
            pltpu.sync_copy(zeros8_hbm.at[pl.ds(s * RPT, RPT)],
                            acc2.at[pl.ds(s * RPT, RPT)])
        plsc.subcore_barrier()

        def body(i, carry):
            @pl.when(i < NCHUNK)
            def _():
                pltpu.async_copy(xc.at[src_v.at[i]],
                                 rows3.at[lax.rem(i, 8)], gsem)

            @pl.when(jnp.logical_and(i >= 3, i <= NCHUNK + 2))
            def _():
                pltpu.make_async_copy(zeros_hbm.at[pl.ds(0, CHUNK)],
                                      rows3.at[0], gsem).wait()
                j = i - 3
                pltpu.async_copy(rows3.at[lax.rem(j, 8)],
                                 acc.at[dst_v.at[j]], ssem, add=True)
                if with_counts:
                    pltpu.sync_copy(ones_v, acc2.at[dst_v.at[j]],
                                    add=True)

            @pl.when(i >= 7)
            def _():
                pltpu.make_async_copy(zeros_hbm.at[pl.ds(0, CHUNK)],
                                      acc.at[pl.ds(0, CHUNK)], ssem).wait()

            return carry

        lax.fori_loop(0, NCHUNK + 7, body, 0)
        plsc.subcore_barrier()
        pltpu.sync_copy(acc.at[pl.ds(s * RPT, RPT)],
                        out_hbm.at[pl.ds(s * RPT, RPT), pl.ds(c * DH, DH)])
        if with_counts:
            @pl.when(c == 0)
            def _():
                pltpu.sync_copy(acc2.at[pl.ds(s * RPT, RPT)],
                                cnt_hbm.at[pl.ds(s * RPT, RPT)])

    return seg


_seg_cnt = _make_segsum(True)
_seg_plain = _make_segsum(False)


def _phase2(sums, cnts, x, W1_l, b1, W1_r, gamma, beta, W2_l, b2, W2_r):
    def body(sum_ref, cnt_ref, x_ref, w1l_ref, b1_ref, w1r_ref, g_ref,
             be_ref, w2l_ref, b2_ref, w2r_ref, p_ref, r_ref):
        cnt = cnt_ref[:, 0:1]
        rinv = 1.0 / jnp.maximum(cnt, 1.0)
        agg = sum_ref[...].astype(jnp.float32) * rinv
        h = (jnp.dot(agg, w1l_ref[...], preferred_element_type=jnp.float32)
             + b1_ref[...]
             + jnp.dot(x_ref[...], w1r_ref[...],
                       preferred_element_type=jnp.float32))
        mu = jnp.mean(h, axis=0, keepdims=True)
        var = jnp.mean((h - mu) ** 2, axis=0, keepdims=True)
        hn = (h - mu) / jnp.sqrt(var + BN_EPS) * g_ref[...] + be_ref[...]
        hr = jnp.maximum(hn, 0.0)
        p_ref[...] = jnp.dot(hr, w2l_ref[...],
                             preferred_element_type=jnp.float32
                             ).astype(jnp.bfloat16)
        r_ref[...] = jnp.dot(hr, w2r_ref[...],
                             preferred_element_type=jnp.float32) + b2_ref[...]

    return pl.pallas_call(
        body,
        out_shape=(
            jax.ShapeDtypeStruct((N, OUT_CH), jnp.bfloat16),
            jax.ShapeDtypeStruct((N, OUT_CH), jnp.float32),
        ),
    )(sums, cnts, x, W1_l, b1.reshape(1, HID_CH), W1_r,
      gamma.reshape(1, HID_CH), beta.reshape(1, HID_CH),
      W2_l, b2.reshape(1, OUT_CH), W2_r)


def _phase4(sums2, cnts, r):
    def body(sum_ref, cnt_ref, r_ref, out_ref):
        rinv = 1.0 / jnp.maximum(cnt_ref[:, 0:1], 1.0)
        out_ref[...] = sum_ref[...].astype(jnp.float32) * rinv + r_ref[...]

    return pl.pallas_call(
        body,
        out_shape=jax.ShapeDtypeStruct((N, OUT_CH), jnp.float32),
    )(sums2, cnts, r)


def kernel(x, edge_index, W1_l, b1, W1_r, gamma, beta, W2_l, b2, W2_r):
    src0 = edge_index[0].reshape(NS, NCHUNK, CHUNK) * 2
    src1 = src0 + 1
    dst = edge_index[1].reshape(NS, NCHUNK, CHUNK)
    zeros = jnp.zeros((2 * N, DH), jnp.bfloat16)
    zeros8 = jnp.zeros((N, CW), jnp.float32)
    ones8 = jnp.ones((CHUNK, CW), jnp.float32)

    xh = x.astype(jnp.bfloat16).reshape(2 * N, DH)
    sums1, cnts = _seg_cnt(xh, src0, src1, dst, zeros, zeros8, ones8)
    p, r = _phase2(sums1, cnts, x, W1_l, b1, W1_r, gamma, beta,
                   W2_l, b2, W2_r)
    ph = p.reshape(2 * N, DH)
    (sums2,) = _seg_plain(ph, src0, src1, dst, zeros, zeros8, ones8)
    return _phase4(sums2, cnts, r)

# --- scband reference (transcript-rebuilt; emitter-appended) ---
"""Pipeline reference for scband-sagelayer-51814485459562 (READ-ONLY COPY).

The authoritative reference and input builder live on the scoring server;
editing this copy changes nothing except your own understanding.
"""

import jax, jax.numpy as jnp
import numpy as np

N = 10000
E = 320000
IN_CH = 128
HID_CH = 256
OUT_CH = 128
BN_EPS = 1e-5


def setup_inputs(seed: int = 0) -> dict:
    key = jax.random.key(seed)
    ks = jax.random.split(key, 12)
    x = jax.random.normal(ks[0], (N, IN_CH), dtype=jnp.float32)
    edge_index = jax.random.randint(ks[1], (2, E), 0, N, dtype=jnp.int32)
    # SAGEConv 1: lin_l (applied to aggregated neighbors, with bias) and lin_r (applied to root, no bias)
    W1_l = jax.random.normal(ks[2], (IN_CH, HID_CH), dtype=jnp.float32) * (1.0 / np.sqrt(IN_CH))
    b1 = jnp.zeros((HID_CH,), dtype=jnp.float32)
    W1_r = jax.random.normal(ks[3], (IN_CH, HID_CH), dtype=jnp.float32) * (1.0 / np.sqrt(IN_CH))
    # BatchNorm1d params
    gamma = jnp.ones((HID_CH,), dtype=jnp.float32)
    beta = jnp.zeros((HID_CH,), dtype=jnp.float32)
    # SAGEConv 2
    W2_l = jax.random.normal(ks[4], (HID_CH, OUT_CH), dtype=jnp.float32) * (1.0 / np.sqrt(HID_CH))
    b2 = jnp.zeros((OUT_CH,), dtype=jnp.float32)
    W2_r = jax.random.normal(ks[5], (HID_CH, OUT_CH), dtype=jnp.float32) * (1.0 / np.sqrt(HID_CH))
    return {
        "x": x,
        "edge_index": edge_index,
        "W1_l": W1_l,
        "b1": b1,
        "W1_r": W1_r,
        "gamma": gamma,
        "beta": beta,
        "W2_l": W2_l,
        "b2": b2,
        "W2_r": W2_r,
    }


def _sage_conv(x, W_l, b, W_r, src, dst, n):
    # mean aggregation over incoming edges (messages flow src -> dst)
    msg = jnp.take(x, src, axis=0)
    summed = jax.ops.segment_sum(msg, dst, num_segments=n)
    cnt = jax.ops.segment_sum(jnp.ones((src.shape[0],), x.dtype), dst, num_segments=n)
    agg = summed / jnp.clip(cnt, 1.0, None)[:, None]
    return agg @ W_l + b + x @ W_r


def reference(x, edge_index, W1_l, b1, W1_r, gamma, beta, W2_l, b2, W2_r):
    src = edge_index[0]
    dst = edge_index[1]
    h = _sage_conv(x, W1_l, b1, W1_r, src, dst, N)
    # BatchNorm1d (training-mode batch statistics, biased variance)
    mu = jnp.mean(h, axis=0)
    var = jnp.var(h, axis=0)
    h = (h - mu) / jnp.sqrt(var + BN_EPS) * gamma + beta
    h = jax.nn.relu(h)
    # dropout: identity (eval mode / deterministic reference)
    out = _sage_conv(h, W2_l, b2, W2_r, src, dst, N)
    return out

if __name__ == "__main__":
    import jax
    _d = setup_inputs()
    print(jax.jit(kernel)(*tuple(_d.values())))

</pallas_src>

<mosaic_0001>
#map = affine_map<(d0, d1) -> (0, 0)>
#map1 = affine_map<(d0, d1) -> (0, 0, 0)>
module attributes {stable_mosaic.version = 14 : i64} {
  func.func @seg(%arg0: i32, %arg1: i32, %arg2: memref<20000x64xbf16, #tpu.memory_space<hbm>>, %arg3: memref<16x160x125xi32, #tpu.memory_space<hbm>>, %arg4: memref<16x160x125xi32, #tpu.memory_space<hbm>>, %arg5: memref<16x160x125xi32, #tpu.memory_space<hbm>>, %arg6: memref<20000x64xbf16, #tpu.memory_space<hbm>>, %arg7: memref<10000x8xf32, #tpu.memory_space<hbm>>, %arg8: memref<125x8xf32, #tpu.memory_space<hbm>>, %arg9: memref<10000x128xbf16, #tpu.memory_space<hbm>>, %arg10: memref<160x125xi32, #tpu.memory_space<vmem>>, %arg11: memref<160x125xi32, #tpu.memory_space<vmem>>, %arg12: memref<8x125x64xbf16, #tpu.memory_space<vmem>>, %arg13: memref<10000x64xbf16, #tpu.memory_space<vmem_shared>>, %arg14: memref<!tpu.dma_semaphore, #tpu.memory_space<semaphore_mem>>, %arg15: memref<!tpu.dma_semaphore, #tpu.memory_space<semaphore_mem>>) attributes {dimension_semantics = [#tpu.dimension_semantics<core_parallel>, #tpu.dimension_semantics<subcore_parallel>], iteration_bounds = array<i64: 2, 16>, scalar_prefetch = 0 : i64, scratch_operands = 6 : i64, tpu.core_type = #tpu.core_type<sc_vector_subcore>, window_params = [{transform_indices = #map}, {transform_indices = #map1}, {transform_indices = #map1}, {transform_indices = #map1}, {transform_indices = #map}, {transform_indices = #map}, {transform_indices = #map}, {transform_indices = #map}]} {
    %mul3A = arith.constant 625 : i32
    %mul3A_0 = arith.muli %arg1, %mul3A : i32
    %mul3A_1 = arith.constant 625 : i32
    %mul3A_2 = arith.muli %arg1, %mul3A_1 : i32
    "tpu.region"() ({
      %run_scoped3A = tpu.sem_alloc : memref<!tpu.dma_semaphore, #tpu.memory_space<semaphore_mem>>
      %dma_start3A = arith.constant 0 : i32
      %dma_start3A_22 = tpu.memref_slice %arg13[%mul3A_2, %dma_start3A] : memref<10000x64xbf16, #tpu.memory_space<vmem_shared>> -> memref<625x64xbf16, #tpu.memory_space<vmem_shared>>
      %dma_start3A_23 = arith.constant 0 : i32
      %dma_start3A_24 = tpu.memref_slice %arg6[%mul3A_0, %dma_start3A_23] : memref<20000x64xbf16, #tpu.memory_space<hbm>> -> memref<625x64xbf16, #tpu.memory_space<hbm>>
      tpu.enqueue_dma source(%dma_start3A_24 : memref<625x64xbf16, #tpu.memory_space<hbm>>) target(%dma_start3A_22 : memref<625x64xbf16, #tpu.memory_space<vmem_shared>>) target_semaphore(%run_scoped3A : memref<!tpu.dma_semaphore, #tpu.memory_space<semaphore_mem>>)
      %dma_wait3A = arith.constant 0 : i32
      %dma_wait3A_25 = tpu.memref_slice %arg13[%mul3A_2, %dma_wait3A] : memref<10000x64xbf16, #tpu.memory_space<vmem_shared>> -> memref<625x64xbf16, #tpu.memory_space<vmem_shared>>
      %dma_wait3A_26 = arith.constant 0 : i32
      %dma_wait3A_27 = tpu.memref_slice %arg6[%mul3A_0, %dma_wait3A_26] : memref<20000x64xbf16, #tpu.memory_space<hbm>> -> memref<625x64xbf16, #tpu.memory_space<hbm>>
      tpu.wait_dma2 semaphore(%run_scoped3A : memref<!tpu.dma_semaphore, #tpu.memory_space<semaphore_mem>>) src(%dma_wait3A_27 : memref<625x64xbf16, #tpu.memory_space<hbm>>) dst(%dma_wait3A_25 : memref<625x64xbf16, #tpu.memory_space<vmem_shared>>)
      tpu.yield
    }) : () -> ()
    %eq3A = arith.constant 0 : i32
    %eq3A_3 = arith.cmpi eq, %arg0, %eq3A : i32
    %convert_element_type3A = arith.extui %eq3A_3 : i1 to i32
    %cond3A = arith.constant 0 : i32
    %cond3A_4 = arith.cmpi ne, %convert_element_type3A, %cond3A : i32
    scf.if %cond3A_4 {
      "tpu.region"() ({
        %run_scoped3A = tpu.sem_alloc : memref<!tpu.dma_semaphore, #tpu.memory_space<semaphore_mem>>
        %dma_start3A = arith.constant 0 : i32
        %dma_start3A_22 = arith.constant 0 : i32
        %dma_start3A_23 = tpu.memref_slice %arg3[%arg1, %dma_start3A, %dma_start3A_22] : memref<16x160x125xi32, #tpu.memory_space<hbm>> -> memref<1x160x125xi32, #tpu.memory_space<hbm>>
        %dma_start3A_24 = tpu.memref_squeeze %dma_start3A_23 : memref<1x160x125xi32, #tpu.memory_space<hbm>> -> memref<160x125xi32, #tpu.memory_space<hbm>>
        %dma_start3A_25 = arith.constant 0 : i32
        %dma_start3A_26 = arith.constant 0 : i32
        %dma_start3A_27 = tpu.memref_slice %arg3[%arg1, %dma_start3A_25, %dma_start3A_26] : memref<16x160x125xi32, #tpu.memory_space<hbm>> -> memref<1x160x125xi32, #tpu.memory_space<hbm>>
        %dma_start3A_28 = tpu.memref_squeeze %dma_start3A_27 : memref<1x160x125xi32, #tpu.memory_space<hbm>> -> memref<160x125xi32, #tpu.memory_space<hbm>>
        tpu.enqueue_dma source(%dma_start3A_28 : memref<160x125xi32, #tpu.memory_space<hbm>>) target(%arg10 : memref<160x125xi32, #tpu.memory_space<vmem>>) target_semaphore(%run_scoped3A : memref<!tpu.dma_semaphore, #tpu.memory_space<semaphore_mem>>)
        %dma_wait3A = arith.constant 0 : i32
        %dma_wait3A_29 = arith.constant 0 : i32
        %dma_wait3A_30 = tpu.memref_slice %arg3[%arg1, %dma_wait3A, %dma_wait3A_29] : memref<16x160x125xi32, #tpu.memory_space<hbm>> -> memref<1x160x125xi32, #tpu.memory_space<hbm>>
        %dma_wait3A_31 = tpu.memref_squeeze %dma_wait3A_30 : memref<1x160x125xi32, #tpu.memory_space<hbm>> -> memref<160x125xi32, #tpu.memory_space<hbm>>
        %dma_wait3A_32 = arith.constant 0 : i32
        %dma_wait3A_33 = arith.constant 0 : i32
        %dma_wait3A_34 = tpu.memref_slice %arg3[%arg1, %dma_wait3A_32, %dma_wait3A_33] : memref<16x160x125xi32, #tpu.memory_space<hbm>> -> memref<1x160x125xi32, #tpu.memory_space<hbm>>
        %dma_wait3A_35 = tpu.memref_squeeze %dma_wait3A_34 : memref<1x160x125xi32, #tpu.memory_space<hbm>> -> memref<160x125xi32, #tpu.memory_space<hbm>>
        tpu.wait_dma2 semaphore(%run_scoped3A : memref<!tpu.dma_semaphore, #tpu.memory_space<semaphore_mem>>) src(%dma_wait3A_35 : memref<160x125xi32, #tpu.memory_space<hbm>>) dst(%arg10 : memref<160x125xi32, #tpu.memory_space<vmem>>)
        tpu.yield
      }) : () -> ()
    } else {
    }
    %eq3A_5 = arith.constant 1 : i32
    %eq3A_6 = arith.cmpi eq, %arg0, %eq3A_5 : i32
    %convert_element_type3A_7 = arith.extui %eq3A_6 : i1 to i32
    %cond3A_8 = arith.constant 0 : i32
    %cond3A_9 = arith.cmpi ne, %convert_element_type3A_7, %cond3A_8 : i32
    scf.if %cond3A_9 {
      "tpu.region"() ({
        %run_scoped3A = tpu.sem_alloc : memref<!tpu.dma_semaphore, #tpu.memory_space<semaphore_mem>>
        %dma_start3A = arith.constant 0 : i32
        %dma_start3A_22 = arith.constant 0 : i32
        %dma_start3A_23 = tpu.memref_slice %arg4[%arg1, %dma_start3A, %dma_start3A_22] : memref<16x160x125xi32, #tpu.memory_space<hbm>> -> memref<1x160x125xi32, #tpu.memory_space<hbm>>
        %dma_start3A_24 = tpu.memref_squeeze %dma_start3A_23 : memref<1x160x125xi32, #tpu.memory_space<hbm>> -> memref<160x125xi32, #tpu.memory_space<hbm>>
        %dma_start3A_25 = arith.constant 0 : i32
        %dma_start3A_26 = arith.constant 0 : i32
        %dma_start3A_27 = tpu.memref_slice %arg4[%arg1, %dma_start3A_25, %dma_start3A_26] : memref<16x160x125xi32, #tpu.memory_space<hbm>> -> memref<1x160x125xi32, #tpu.memory_space<hbm>>
        %dma_start3A_28 = tpu.memref_squeeze %dma_start3A_27 : memref<1x160x125xi32, #tpu.memory_space<hbm>> -> memref<160x125xi32, #tpu.memory_space<hbm>>
        tpu.enqueue_dma source(%dma_start3A_28 : memref<160x125xi32, #tpu.memory_space<hbm>>) target(%arg10 : memref<160x125xi32, #tpu.memory_space<vmem>>) target_semaphore(%run_scoped3A : memref<!tpu.dma_semaphore, #tpu.memory_space<semaphore_mem>>)
        %dma_wait3A = arith.constant 0 : i32
        %dma_wait3A_29 = arith.constant 0 : i32
        %dma_wait3A_30 = tpu.memref_slice %arg4[%arg1, %dma_wait3A, %dma_wait3A_29] : memref<16x160x125xi32, #tpu.memory_space<hbm>> -> memref<1x160x125xi32, #tpu.memory_space<hbm>>
        %dma_wait3A_31 = tpu.memref_squeeze %dma_wait3A_30 : memref<1x160x125xi32, #tpu.memory_space<hbm>> -> memref<160x125xi32, #tpu.memory_space<hbm>>
        %dma_wait3A_32 = arith.constant 0 : i32
        %dma_wait3A_33 = arith.constant 0 : i32
        %dma_wait3A_34 = tpu.memref_slice %arg4[%arg1, %dma_wait3A_32, %dma_wait3A_33] : memref<16x160x125xi32, #tpu.memory_space<hbm>> -> memref<1x160x125xi32, #tpu.memory_space<hbm>>
        %dma_wait3A_35 = tpu.memref_squeeze %dma_wait3A_34 : memref<1x160x125xi32, #tpu.memory_space<hbm>> -> memref<160x125xi32, #tpu.memory_space<hbm>>
        tpu.wait_dma2 semaphore(%run_scoped3A : memref<!tpu.dma_semaphore, #tpu.memory_space<semaphore_mem>>) src(%dma_wait3A_35 : memref<160x125xi32, #tpu.memory_space<hbm>>) dst(%arg10 : memref<160x125xi32, #tpu.memory_space<vmem>>)
        tpu.yield
      }) : () -> ()
    } else {
    }
    "tpu.region"() ({
      %run_scoped3A = tpu.sem_alloc : memref<!tpu.dma_semaphore, #tpu.memory_space<semaphore_mem>>
      %dma_start3A = arith.constant 0 : i32
      %dma_start3A_22 = arith.constant 0 : i32
      %dma_start3A_23 = tpu.memref_slice %arg5[%arg1, %dma_start3A, %dma_start3A_22] : memref<16x160x125xi32, #tpu.memory_space<hbm>> -> memref<1x160x125xi32, #tpu.memory_space<hbm>>
      %dma_start3A_24 = tpu.memref_squeeze %dma_start3A_23 : memref<1x160x125xi32, #tpu.memory_space<hbm>> -> memref<160x125xi32, #tpu.memory_space<hbm>>
      %dma_start3A_25 = arith.constant 0 : i32
      %dma_start3A_26 = arith.constant 0 : i32
      %dma_start3A_27 = tpu.memref_slice %arg5[%arg1, %dma_start3A_25, %dma_start3A_26] : memref<16x160x125xi32, #tpu.memory_space<hbm>> -> memref<1x160x125xi32, #tpu.memory_space<hbm>>
      %dma_start3A_28 = tpu.memref_squeeze %dma_start3A_27 : memref<1x160x125xi32, #tpu.memory_space<hbm>> -> memref<160x125xi32, #tpu.memory_space<hbm>>
      tpu.enqueue_dma source(%dma_start3A_28 : memref<160x125xi32, #tpu.memory_space<hbm>>) target(%arg11 : memref<160x125xi32, #tpu.memory_space<vmem>>) target_semaphore(%run_scoped3A : memref<!tpu.dma_semaphore, #tpu.memory_space<semaphore_mem>>)
      %dma_wait3A = arith.constant 0 : i32
      %dma_wait3A_29 = arith.constant 0 : i32
      %dma_wait3A_30 = tpu.memref_slice %arg5[%arg1, %dma_wait3A, %dma_wait3A_29] : memref<16x160x125xi32, #tpu.memory_space<hbm>> -> memref<1x160x125xi32, #tpu.memory_space<hbm>>
      %dma_wait3A_31 = tpu.memref_squeeze %dma_wait3A_30 : memref<1x160x125xi32, #tpu.memory_space<hbm>> -> memref<160x125xi32, #tpu.memory_space<hbm>>
      %dma_wait3A_32 = arith.constant 0 : i32
      %dma_wait3A_33 = arith.constant 0 : i32
      %dma_wait3A_34 = tpu.memref_slice %arg5[%arg1, %dma_wait3A_32, %dma_wait3A_33] : memref<16x160x125xi32, #tpu.memory_space<hbm>> -> memref<1x160x125xi32, #tpu.memory_space<hbm>>
      %dma_wait3A_35 = tpu.memref_squeeze %dma_wait3A_34 : memref<1x160x125xi32, #tpu.memory_space<hbm>> -> memref<160x125xi32, #tpu.memory_space<hbm>>
      tpu.wait_dma2 semaphore(%run_scoped3A : memref<!tpu.dma_semaphore, #tpu.memory_space<semaphore_mem>>) src(%dma_wait3A_35 : memref<160x125xi32, #tpu.memory_space<hbm>>) dst(%arg11 : memref<160x125xi32, #tpu.memory_space<vmem>>)
      tpu.yield
    }) : () -> ()
    %barrier3A = arith.constant 0 : index
    tpu.barrier barrier_id(%barrier3A)
    %scan3A = arith.constant 0 : i32
    %scan3A_10 = arith.constant 0 : i32
    %scan3A_11 = arith.constant 167 : i32
    %scan3A_12 = arith.addi %scan3A_10, %scan3A_11 : i32
    %scan3A_13 = arith.constant 1 : i32
    scf.for %scan3A_22 = %scan3A_10 to %scan3A_12 step %scan3A_13  : i32 {
      %lt3A = arith.constant 160 : i32
      %lt3A_23 = arith.cmpi slt, %scan3A_22, %lt3A : i32
      %convert_element_type3A_24 = arith.extui %lt3A_23 : i1 to i32
      %cond3A_25 = arith.constant 0 : i32
      %cond3A_26 = arith.cmpi ne, %convert_element_type3A_24, %cond3A_25 : i32
      scf.if %cond3A_26 {
        %rem3A = arith.constant 8 : i32
        %rem3A_37 = arith.remsi %scan3A_22, %rem3A : i32
        %dma_start3A = arith.constant 0 : i32
        %dma_start3A_38 = arith.constant 0 : i32
        %dma_start3A_39 = tpu.memref_slice %arg12[%rem3A_37, %dma_start3A, %dma_start3A_38] : memref<8x125x64xbf16, #tpu.memory_space<vmem>> -> memref<1x125x64xbf16, #tpu.memory_space<vmem>>
        %dma_start3A_40 = tpu.memref_squeeze %dma_start3A_39 : memref<1x125x64xbf16, #tpu.memory_space<vmem>> -> memref<125x64xbf16, #tpu.memory_space<vmem>>
        %dma_start3A_41 = arith.constant 0 : i32
        %dma_start3A_42 = tpu.memref_slice %arg10[%scan3A_22, %dma_start3A_41] : memref<160x125xi32, #tpu.memory_space<vmem>> -> memref<1x125xi32, #tpu.memory_space<vmem>>
        %dma_start3A_43 = tpu.memref_squeeze %dma_start3A_42 : memref<1x125xi32, #tpu.memory_space<vmem>> -> memref<125xi32, #tpu.memory_space<vmem>>
        %dma_start3A_44 = arith.constant 0 : i32
        %dma_start3A_45 = arith.constant 0 : i32
        %dma_start3A_46 = tpu.memref_slice %arg2[%dma_start3A_44, %dma_start3A_45] : memref<20000x64xbf16, #tpu.memory_space<hbm>> -> memref<20000x64xbf16, #tpu.memory_space<hbm>>
        tpu.enqueue_indirect_dma source(%dma_start3A_46 : memref<20000x64xbf16, #tpu.memory_space<hbm>>) target(%dma_start3A_40 : memref<125x64xbf16, #tpu.memory_space<vmem>>) offsets(%dma_start3A_43 : memref<125xi32, #tpu.memory_space<vmem>>) semaphore(%arg14 : memref<!tpu.dma_semaphore, #tpu.memory_space<semaphore_mem>>)
      } else {
      }
      %ge3A = arith.constant 3 : i32
      %ge3A_27 = arith.cmpi sge, %scan3A_22, %ge3A : i32
      %le3A = arith.constant 162 : i32
      %le3A_28 = arith.cmpi sle, %scan3A_22, %le3A : i32
      %and3A = arith.andi %ge3A_27, %le3A_28 : i1
      %convert_element_type3A_29 = arith.extui %and3A : i1 to i32
      %cond3A_30 = arith.constant 0 : i32
      %cond3A_31 = arith.cmpi ne, %convert_element_type3A_29, %cond3A_30 : i32
      scf.if %cond3A_31 {
        %dma_wait3A = arith.constant 0 : i32
        %dma_wait3A_37 = arith.constant 0 : i32
        %dma_wait3A_38 = arith.constant 0 : i32
        %dma_wait3A_39 = tpu.memref_slice %arg12[%dma_wait3A, %dma_wait3A_37, %dma_wait3A_38] : memref<8x125x64xbf16, #tpu.memory_space<vmem>> -> memref<1x125x64xbf16, #tpu.memory_space<vmem>>
        %dma_wait3A_40 = tpu.memref_squeeze %dma_wait3A_39 : memref<1x125x64xbf16, #tpu.memory_space<vmem>> -> memref<125x64xbf16, #tpu.memory_space<vmem>>
        %dma_wait3A_41 = arith.constant 0 : i32
        %dma_wait3A_42 = arith.constant 0 : i32
        %dma_wait3A_43 = tpu.memref_slice %arg6[%dma_wait3A_41, %dma_wait3A_42] : memref<20000x64xbf16, #tpu.memory_space<hbm>> -> memref<125x64xbf16, #tpu.memory_space<hbm>>
        %dma_wait3A_44 = arith.constant 0 : i32
        %dma_wait3A_45 = arith.constant 0 : i32
        %dma_wait3A_46 = tpu.memref_slice %arg12[%dma_wait3A, %dma_wait3A_44, %dma_wait3A_45] : memref<8x125x64xbf16, #tpu.memory_space<vmem>> -> memref<1x125x64xbf16, #tpu.memory_space<vmem>>
        %dma_wait3A_47 = tpu.memref_squeeze %dma_wait3A_46 : memref<1x125x64xbf16, #tpu.memory_space<vmem>> -> memref<125x64xbf16, #tpu.memory_space<vmem>>
        %dma_wait3A_48 = arith.constant 0 : i32
        %dma_wait3A_49 = arith.constant 0 : i32
        %dma_wait3A_50 = tpu.memref_slice %arg6[%dma_wait3A_48, %dma_wait3A_49] : memref<20000x64xbf16, #tpu.memory_space<hbm>> -> memref<125x64xbf16, #tpu.memory_space<hbm>>
        tpu.wait_dma2 semaphore(%arg14 : memref<!tpu.dma_semaphore, #tpu.memory_space<semaphore_mem>>) src(%dma_wait3A_50 : memref<125x64xbf16, #tpu.memory_space<hbm>>) dst(%dma_wait3A_47 : memref<125x64xbf16, #tpu.memory_space<vmem>>)
        %sub3A = arith.constant 3 : i32
        %sub3A_51 = arith.subi %scan3A_22, %sub3A : i32
        %rem3A = arith.constant 8 : i32
        %rem3A_52 = arith.remsi %sub3A_51, %rem3A : i32
        %dma_start3A = arith.constant 0 : i32
        %dma_start3A_53 = arith.constant 0 : i32
        %dma_start3A_54 = tpu.memref_slice %arg12[%rem3A_52, %dma_start3A, %dma_start3A_53] : memref<8x125x64xbf16, #tpu.memory_space<vmem>> -> memref<1x125x64xbf16, #tpu.memory_space<vmem>>
        %dma_start3A_55 = tpu.memref_squeeze %dma_start3A_54 : memref<1x125x64xbf16, #tpu.memory_space<vmem>> -> memref<125x64xbf16, #tpu.memory_space<vmem>>
        %dma_start3A_56 = arith.constant 0 : i32
        %dma_start3A_57 = tpu.memref_slice %arg11[%sub3A_51, %dma_start3A_56] : memref<160x125xi32, #tpu.memory_space<vmem>> -> memref<1x125xi32, #tpu.memory_space<vmem>>
        %dma_start3A_58 = tpu.memref_squeeze %dma_start3A_57 : memref<1x125xi32, #tpu.memory_space<vmem>> -> memref<125xi32, #tpu.memory_space<vmem>>
        %dma_start3A_59 = arith.constant 0 : i32
        %dma_start3A_60 = arith.constant 0 : i32
        %dma_start3A_61 = tpu.memref_slice %arg13[%dma_start3A_59, %dma_start3A_60] : memref<10000x64xbf16, #tpu.memory_space<vmem_shared>> -> memref<10000x64xbf16, #tpu.memory_space<vmem_shared>>
        tpu.enqueue_indirect_dma source(%dma_start3A_55 : memref<125x64xbf16, #tpu.memory_space<vmem>>) target(%dma_start3A_61 : memref<10000x64xbf16, #tpu.memory_space<vmem_shared>>) offsets(%dma_start3A_58 : memref<125xi32, #tpu.memory_space<vmem>>) semaphore(%arg15 : memref<!tpu.dma_semaphore, #tpu.memory_space<semaphore_mem>>) {add = true}
      } else {
      }
      %ge3A_32 = arith.constant 7 : i32
      %ge3A_33 = arith.cmpi sge, %scan3A_22, %ge3A_32 : i32
      %convert_element_type3A_34 = arith.extui %ge3A_33 : i1 to i32
      %cond3A_35 = arith.constant 0 : i32
      %cond3A_36 = arith.cmpi ne, %convert_element_type3A_34, %cond3A_35 : i32
      scf.if %cond3A_36 {
        %dma_wait3A = arith.constant 0 : i32
        %dma_wait3A_37 = arith.constant 0 : i32
        %dma_wait3A_38 = tpu.memref_slice %arg13[%dma_wait3A, %dma_wait3A_37] : memref<10000x64xbf16, #tpu.memory_space<vmem_shared>> -> memref<125x64xbf16, #tpu.memory_space<vmem_shared>>
        %dma_wait3A_39 = arith.constant 0 : i32
        %dma_wait3A_40 = arith.constant 0 : i32
        %dma_wait3A_41 = tpu.memref_slice %arg6[%dma_wait3A_39, %dma_wait3A_40] : memref<20000x64xbf16, #tpu.memory_space<hbm>> -> memref<125x64xbf16, #tpu.memory_space<hbm>>
        tpu.wait_dma2 semaphore(%arg15 : memref<!tpu.dma_semaphore, #tpu.memory_space<semaphore_mem>>) src(%dma_wait3A_41 : memref<125x64xbf16, #tpu.memory_space<hbm>>) dst(%dma_wait3A_38 : memref<125x64xbf16, #tpu.memory_space<vmem_shared>>)
      } else {
      }
    }
    %scan3A_14 = arith.constant 167 : i32
    %barrier3A_15 = arith.constant 0 : index
    tpu.barrier barrier_id(%barrier3A_15)
    %mul3A_16 = arith.constant 625 : i32
    %mul3A_17 = arith.muli %arg1, %mul3A_16 : i32
    %mul3A_18 = arith.constant 625 : i32
    %mul3A_19 = arith.muli %arg1, %mul3A_18 : i32
    %mul3A_20 = arith.constant 64 : i32
    %mul3A_21 = arith.muli %arg0, %mul3A_20 : i32
    "tpu.region"() ({
      %run_scoped3A = tpu.sem_alloc : memref<!tpu.dma_semaphore, #tpu.memory_space<semaphore_mem>>
      %dma_start3A = tpu.memref_slice %arg9[%mul3A_19, %mul3A_21] : memref<10000x128xbf16, #tpu.memory_space<hbm>> -> memref<625x64xbf16, #tpu.memory_space<hbm>>
      %dma_start3A_22 = arith.constant 0 : i32
      %dma_start3A_23 = tpu.memref_slice %arg13[%mul3A_17, %dma_start3A_22] : memref<10000x64xbf16, #tpu.memory_space<vmem_shared>> -> memref<625x64xbf16, #tpu.memory_space<vmem_shared>>
      tpu.enqueue_dma source(%dma_start3A_23 : memref<625x64xbf16, #tpu.memory_space<vmem_shared>>) target(%dma_start3A : memref<625x64xbf16, #tpu.memory_space<hbm>>) target_semaphore(%run_scoped3A : memref<!tpu.dma_semaphore, #tpu.memory_space<semaphore_mem>>)
      %dma_wait3A = tpu.memref_slice %arg9[%mul3A_19, %mul3A_21] : memref<10000x128xbf16, #tpu.memory_space<hbm>> -> memref<625x64xbf16, #tpu.memory_space<hbm>>
      %dma_wait3A_24 = arith.constant 0 : i32
      %dma_wait3A_25 = tpu.memref_slice %arg13[%mul3A_17, %dma_wait3A_24] : memref<10000x64xbf16, #tpu.memory_space<vmem_shared>> -> memref<625x64xbf16, #tpu.memory_space<vmem_shared>>
      tpu.wait_dma2 semaphore(%run_scoped3A : memref<!tpu.dma_semaphore, #tpu.memory_space<semaphore_mem>>) src(%dma_wait3A_25 : memref<625x64xbf16, #tpu.memory_space<vmem_shared>>) dst(%dma_wait3A : memref<625x64xbf16, #tpu.memory_space<hbm>>)
      tpu.yield
    }) : () -> ()
    return
  }
}

#map = affine_map<(d0, d1) -> (0, 0)>
#map1 = affine_map<(d0, d1) -> (0, 0, 0)>
module attributes {stable_mosaic.version = 14 : i64} {
  func.func @seg(%arg0: i32, %arg1: i32, %arg2: memref<20000x64xbf16, #tpu.memory_space<hbm>>, %arg3: memref<16x160x125xi32, #tpu.memory_space<hbm>>, %arg4: memref<16x160x125xi32, #tpu.memory_space<hbm>>, %arg5: memref<16x160x125xi32, #tpu.memory_space<hbm>>, %arg6: memref<20000x64xbf16, #tpu.memory_space<hbm>>, %arg7: memref<10000x8xf32, #tpu.memory_space<hbm>>, %arg8: memref<125x8xf32, #tpu.memory_space<hbm>>, %arg9: memref<10000x128xbf16, #tpu.memory_space<hbm>>, %arg10: memref<10000x8xf32, #tpu.memory_space<hbm>>, %arg11: memref<160x125xi32, #tpu.memory_space<vmem>>, %arg12: memref<160x125xi32, #tpu.memory_space<vmem>>, %arg13: memref<8x125x64xbf16, #tpu.memory_space<vmem>>, %arg14: memref<10000x64xbf16, #tpu.memory_space<vmem_shared>>, %arg15: memref<!tpu.dma_semaphore, #tpu.memory_space<semaphore_mem>>, %arg16: memref<!tpu.dma_semaphore, #tpu.memory_space<semaphore_mem>>, %arg17: memref<125x8xf32, #tpu.memory_space<vmem>>, %arg18: memref<10000x8xf32, #tpu.memory_space<vmem_shared>>) attributes {dimension_semantics = [#tpu.dimension_semantics<core_parallel>, #tpu.dimension_semantics<subcore_parallel>], iteration_bounds = array<i64: 2, 16>, scalar_prefetch = 0 : i64, scratch_operands = 8 : i64, tpu.core_type = #tpu.core_type<sc_vector_subcore>, window_params = [{transform_indices = #map}, {transform_indices = #map1}, {transform_indices = #map1}, {transform_indices = #map1}, {transform_indices = #map}, {transform_indices = #map}, {transform_indices = #map}, {transform_indices = #map}, {transform_indices = #map}]} {
    %mul3A = arith.constant 625 : i32
    %mul3A_0 = arith.muli %arg1, %mul3A : i32
    %mul3A_1 = arith.constant 625 : i32
    %mul3A_2 = arith.muli %arg1, %mul3A_1 : i32
    "tpu.region"() ({
      %run_scoped3A = tpu.sem_alloc : memref<!tpu.dma_semaphore, #tpu.memory_space<semaphore_mem>>
      %dma_start3A = arith.constant 0 : i32
      %dma_start3A_31 = tpu.memref_slice %arg14[%mul3A_2, %dma_start3A] : memref<10000x64xbf16, #tpu.memory_space<vmem_shared>> -> memref<625x64xbf16, #tpu.memory_space<vmem_shared>>
      %dma_start3A_32 = arith.constant 0 : i32
      %dma_start3A_33 = tpu.memref_slice %arg6[%mul3A_0, %dma_start3A_32] : memref<20000x64xbf16, #tpu.memory_space<hbm>> -> memref<625x64xbf16, #tpu.memory_space<hbm>>
      tpu.enqueue_dma source(%dma_start3A_33 : memref<625x64xbf16, #tpu.memory_space<hbm>>) target(%dma_start3A_31 : memref<625x64xbf16, #tpu.memory_space<vmem_shared>>) target_semaphore(%run_scoped3A : memref<!tpu.dma_semaphore, #tpu.memory_space<semaphore_mem>>)
      %dma_wait3A = arith.constant 0 : i32
      %dma_wait3A_34 = tpu.memref_slice %arg14[%mul3A_2, %dma_wait3A] : memref<10000x64xbf16, #tpu.memory_space<vmem_shared>> -> memref<625x64xbf16, #tpu.memory_space<vmem_shared>>
      %dma_wait3A_35 = arith.constant 0 : i32
      %dma_wait3A_36 = tpu.memref_slice %arg6[%mul3A_0, %dma_wait3A_35] : memref<20000x64xbf16, #tpu.memory_space<hbm>> -> memref<625x64xbf16, #tpu.memory_space<hbm>>
      tpu.wait_dma2 semaphore(%run_scoped3A : memref<!tpu.dma_semaphore, #tpu.memory_space<semaphore_mem>>) src(%dma_wait3A_36 : memref<625x64xbf16, #tpu.memory_space<hbm>>) dst(%dma_wait3A_34 : memref<625x64xbf16, #tpu.memory_space<vmem_shared>>)
      tpu.yield
    }) : () -> ()
    %eq3A = arith.constant 0 : i32
    %eq3A_3 = arith.cmpi eq, %arg0, %eq3A : i32
    %convert_element_type3A = arith.extui %eq3A_3 : i1 to i32
    %cond3A = arith.constant 0 : i32
    %cond3A_4 = arith.cmpi ne, %convert_element_type3A, %cond3A : i32
    scf.if %cond3A_4 {
      "tpu.region"() ({
        %run_scoped3A = tpu.sem_alloc : memref<!tpu.dma_semaphore, #tpu.memory_space<semaphore_mem>>
        %dma_start3A = arith.constant 0 : i32
        %dma_start3A_31 = arith.constant 0 : i32
        %dma_start3A_32 = tpu.memref_slice %arg3[%arg1, %dma_start3A, %dma_start3A_31] : memref<16x160x125xi32, #tpu.memory_space<hbm>> -> memref<1x160x125xi32, #tpu.memory_space<hbm>>
        %dma_start3A_33 = tpu.memref_squeeze %dma_start3A_32 : memref<1x160x125xi32, #tpu.memory_space<hbm>> -> memref<160x125xi32, #tpu.memory_space<hbm>>
        %dma_start3A_34 = arith.constant 0 : i32
        %dma_start3A_35 = arith.constant 0 : i32
        %dma_start3A_36 = tpu.memref_slice %arg3[%arg1, %dma_start3A_34, %dma_start3A_35] : memref<16x160x125xi32, #tpu.memory_space<hbm>> -> memref<1x160x125xi32, #tpu.memory_space<hbm>>
        %dma_start3A_37 = tpu.memref_squeeze %dma_start3A_36 : memref<1x160x125xi32, #tpu.memory_space<hbm>> -> memref<160x125xi32, #tpu.memory_space<hbm>>
        tpu.enqueue_dma source(%dma_start3A_37 : memref<160x125xi32, #tpu.memory_space<hbm>>) target(%arg11 : memref<160x125xi32, #tpu.memory_space<vmem>>) target_semaphore(%run_scoped3A : memref<!tpu.dma_semaphore, #tpu.memory_space<semaphore_mem>>)
        %dma_wait3A = arith.constant 0 : i32
        %dma_wait3A_38 = arith.constant 0 : i32
        %dma_wait3A_39 = tpu.memref_slice %arg3[%arg1, %dma_wait3A, %dma_wait3A_38] : memref<16x160x125xi32, #tpu.memory_space<hbm>> -> memref<1x160x125xi32, #tpu.memory_space<hbm>>
        %dma_wait3A_40 = tpu.memref_squeeze %dma_wait3A_39 : memref<1x160x125xi32, #tpu.memory_space<hbm>> -> memref<160x125xi32, #tpu.memory_space<hbm>>
        %dma_wait3A_41 = arith.constant 0 : i32
        %dma_wait3A_42 = arith.constant 0 : i32
        %dma_wait3A_43 = tpu.memref_slice %arg3[%arg1, %dma_wait3A_41, %dma_wait3A_42] : memref<16x160x125xi32, #tpu.memory_space<hbm>> -> memref<1x160x125xi32, #tpu.memory_space<hbm>>
        %dma_wait3A_44 = tpu.memref_squeeze %dma_wait3A_43 : memref<1x160x125xi32, #tpu.memory_space<hbm>> -> memref<160x125xi32, #tpu.memory_space<hbm>>
        tpu.wait_dma2 semaphore(%run_scoped3A : memref<!tpu.dma_semaphore, #tpu.memory_space<semaphore_mem>>) src(%dma_wait3A_44 : memref<160x125xi32, #tpu.memory_space<hbm>>) dst(%arg11 : memref<160x125xi32, #tpu.memory_space<vmem>>)
        tpu.yield
      }) : () -> ()
    } else {
    }
    %eq3A_5 = arith.constant 1 : i32
    %eq3A_6 = arith.cmpi eq, %arg0, %eq3A_5 : i32
    %convert_element_type3A_7 = arith.extui %eq3A_6 : i1 to i32
    %cond3A_8 = arith.constant 0 : i32
    %cond3A_9 = arith.cmpi ne, %convert_element_type3A_7, %cond3A_8 : i32
    scf.if %cond3A_9 {
      "tpu.region"() ({
        %run_scoped3A = tpu.sem_alloc : memref<!tpu.dma_semaphore, #tpu.memory_space<semaphore_mem>>
        %dma_start3A = arith.constant 0 : i32
        %dma_start3A_31 = arith.constant 0 : i32
        %dma_start3A_32 = tpu.memref_slice %arg4[%arg1, %dma_start3A, %dma_start3A_31] : memref<16x160x125xi32, #tpu.memory_space<hbm>> -> memref<1x160x125xi32, #tpu.memory_space<hbm>>
        %dma_start3A_33 = tpu.memref_squeeze %dma_start3A_32 : memref<1x160x125xi32, #tpu.memory_space<hbm>> -> memref<160x125xi32, #tpu.memory_space<hbm>>
        %dma_start3A_34 = arith.constant 0 : i32
        %dma_start3A_35 = arith.constant 0 : i32
        %dma_start3A_36 = tpu.memref_slice %arg4[%arg1, %dma_start3A_34, %dma_start3A_35] : memref<16x160x125xi32, #tpu.memory_space<hbm>> -> memref<1x160x125xi32, #tpu.memory_space<hbm>>
        %dma_start3A_37 = tpu.memref_squeeze %dma_start3A_36 : memref<1x160x125xi32, #tpu.memory_space<hbm>> -> memref<160x125xi32, #tpu.memory_space<hbm>>
        tpu.enqueue_dma source(%dma_start3A_37 : memref<160x125xi32, #tpu.memory_space<hbm>>) target(%arg11 : memref<160x125xi32, #tpu.memory_space<vmem>>) target_semaphore(%run_scoped3A : memref<!tpu.dma_semaphore, #tpu.memory_space<semaphore_mem>>)
        %dma_wait3A = arith.constant 0 : i32
        %dma_wait3A_38 = arith.constant 0 : i32
        %dma_wait3A_39 = tpu.memref_slice %arg4[%arg1, %dma_wait3A, %dma_wait3A_38] : memref<16x160x125xi32, #tpu.memory_space<hbm>> -> memref<1x160x125xi32, #tpu.memory_space<hbm>>
        %dma_wait3A_40 = tpu.memref_squeeze %dma_wait3A_39 : memref<1x160x125xi32, #tpu.memory_space<hbm>> -> memref<160x125xi32, #tpu.memory_space<hbm>>
        %dma_wait3A_41 = arith.constant 0 : i32
        %dma_wait3A_42 = arith.constant 0 : i32
        %dma_wait3A_43 = tpu.memref_slice %arg4[%arg1, %dma_wait3A_41, %dma_wait3A_42] : memref<16x160x125xi32, #tpu.memory_space<hbm>> -> memref<1x160x125xi32, #tpu.memory_space<hbm>>
        %dma_wait3A_44 = tpu.memref_squeeze %dma_wait3A_43 : memref<1x160x125xi32, #tpu.memory_space<hbm>> -> memref<160x125xi32, #tpu.memory_space<hbm>>
        tpu.wait_dma2 semaphore(%run_scoped3A : memref<!tpu.dma_semaphore, #tpu.memory_space<semaphore_mem>>) src(%dma_wait3A_44 : memref<160x125xi32, #tpu.memory_space<hbm>>) dst(%arg11 : memref<160x125xi32, #tpu.memory_space<vmem>>)
        tpu.yield
      }) : () -> ()
    } else {
    }
    "tpu.region"() ({
      %run_scoped3A = tpu.sem_alloc : memref<!tpu.dma_semaphore, #tpu.memory_space<semaphore_mem>>
      %dma_start3A = arith.constant 0 : i32
      %dma_start3A_31 = arith.constant 0 : i32
      %dma_start3A_32 = tpu.memref_slice %arg5[%arg1, %dma_start3A, %dma_start3A_31] : memref<16x160x125xi32, #tpu.memory_space<hbm>> -> memref<1x160x125xi32, #tpu.memory_space<hbm>>
      %dma_start3A_33 = tpu.memref_squeeze %dma_start3A_32 : memref<1x160x125xi32, #tpu.memory_space<hbm>> -> memref<160x125xi32, #tpu.memory_space<hbm>>
      %dma_start3A_34 = arith.constant 0 : i32
      %dma_start3A_35 = arith.constant 0 : i32
      %dma_start3A_36 = tpu.memref_slice %arg5[%arg1, %dma_start3A_34, %dma_start3A_35] : memref<16x160x125xi32, #tpu.memory_space<hbm>> -> memref<1x160x125xi32, #tpu.memory_space<hbm>>
      %dma_start3A_37 = tpu.memref_squeeze %dma_start3A_36 : memref<1x160x125xi32, #tpu.memory_space<hbm>> -> memref<160x125xi32, #tpu.memory_space<hbm>>
      tpu.enqueue_dma source(%dma_start3A_37 : memref<160x125xi32, #tpu.memory_space<hbm>>) target(%arg12 : memref<160x125xi32, #tpu.memory_space<vmem>>) target_semaphore(%run_scoped3A : memref<!tpu.dma_semaphore, #tpu.memory_space<semaphore_mem>>)
      %dma_wait3A = arith.constant 0 : i32
      %dma_wait3A_38 = arith.constant 0 : i32
      %dma_wait3A_39 = tpu.memref_slice %arg5[%arg1, %dma_wait3A, %dma_wait3A_38] : memref<16x160x125xi32, #tpu.memory_space<hbm>> -> memref<1x160x125xi32, #tpu.memory_space<hbm>>
      %dma_wait3A_40 = tpu.memref_squeeze %dma_wait3A_39 : memref<1x160x125xi32, #tpu.memory_space<hbm>> -> memref<160x125xi32, #tpu.memory_space<hbm>>
      %dma_wait3A_41 = arith.constant 0 : i32
      %dma_wait3A_42 = arith.constant 0 : i32
      %dma_wait3A_43 = tpu.memref_slice %arg5[%arg1, %dma_wait3A_41, %dma_wait3A_42] : memref<16x160x125xi32, #tpu.memory_space<hbm>> -> memref<1x160x125xi32, #tpu.memory_space<hbm>>
      %dma_wait3A_44 = tpu.memref_squeeze %dma_wait3A_43 : memref<1x160x125xi32, #tpu.memory_space<hbm>> -> memref<160x125xi32, #tpu.memory_space<hbm>>
      tpu.wait_dma2 semaphore(%run_scoped3A : memref<!tpu.dma_semaphore, #tpu.memory_space<semaphore_mem>>) src(%dma_wait3A_44 : memref<160x125xi32, #tpu.memory_space<hbm>>) dst(%arg12 : memref<160x125xi32, #tpu.memory_space<vmem>>)
      tpu.yield
    }) : () -> ()
    "tpu.region"() ({
      %run_scoped3A = tpu.sem_alloc : memref<!tpu.dma_semaphore, #tpu.memory_space<semaphore_mem>>
      tpu.enqueue_dma source(%arg8 : memref<125x8xf32, #tpu.memory_space<hbm>>) target(%arg17 : memref<125x8xf32, #tpu.memory_space<vmem>>) target_semaphore(%run_scoped3A : memref<!tpu.dma_semaphore, #tpu.memory_space<semaphore_mem>>)
      tpu.wait_dma2 semaphore(%run_scoped3A : memref<!tpu.dma_semaphore, #tpu.memory_space<semaphore_mem>>) src(%arg8 : memref<125x8xf32, #tpu.memory_space<hbm>>) dst(%arg17 : memref<125x8xf32, #tpu.memory_space<vmem>>)
      tpu.yield
    }) : () -> ()
    %mul3A_10 = arith.constant 625 : i32
    %mul3A_11 = arith.muli %arg1, %mul3A_10 : i32
    %mul3A_12 = arith.constant 625 : i32
    %mul3A_13 = arith.muli %arg1, %mul3A_12 : i32
    "tpu.region"() ({
      %run_scoped3A = tpu.sem_alloc : memref<!tpu.dma_semaphore, #tpu.memory_space<semaphore_mem>>
      %dma_start3A = arith.constant 0 : i32
      %dma_start3A_31 = tpu.memref_slice %arg18[%mul3A_13, %dma_start3A] : memref<10000x8xf32, #tpu.memory_space<vmem_shared>> -> memref<625x8xf32, #tpu.memory_space<vmem_shared>>
      %dma_start3A_32 = arith.constant 0 : i32
      %dma_start3A_33 = tpu.memref_slice %arg7[%mul3A_11, %dma_start3A_32] : memref<10000x8xf32, #tpu.memory_space<hbm>> -> memref<625x8xf32, #tpu.memory_space<hbm>>
      tpu.enqueue_dma source(%dma_start3A_33 : memref<625x8xf32, #tpu.memory_space<hbm>>) target(%dma_start3A_31 : memref<625x8xf32, #tpu.memory_space<vmem_shared>>) target_semaphore(%run_scoped3A : memref<!tpu.dma_semaphore, #tpu.memory_space<semaphore_mem>>)
      %dma_wait3A = arith.constant 0 : i32
      %dma_wait3A_34 = tpu.memref_slice %arg18[%mul3A_13, %dma_wait3A] : memref<10000x8xf32, #tpu.memory_space<vmem_shared>> -> memref<625x8xf32, #tpu.memory_space<vmem_shared>>
      %dma_wait3A_35 = arith.constant 0 : i32
      %dma_wait3A_36 = tpu.memref_slice %arg7[%mul3A_11, %dma_wait3A_35] : memref<10000x8xf32, #tpu.memory_space<hbm>> -> memref<625x8xf32, #tpu.memory_space<hbm>>
      tpu.wait_dma2 semaphore(%run_scoped3A : memref<!tpu.dma_semaphore, #tpu.memory_space<semaphore_mem>>) src(%dma_wait3A_36 : memref<625x8xf32, #tpu.memory_space<hbm>>) dst(%dma_wait3A_34 : memref<625x8xf32, #tpu.memory_space<vmem_shared>>)
      tpu.yield
    }) : () -> ()
    %barrier3A = arith.constant 0 : index
    tpu.barrier barrier_id(%barrier3A)
    %scan3A = arith.constant 0 : i32
    %scan3A_14 = arith.constant 0 : i32
    %scan3A_15 = arith.constant 167 : i32
    %scan3A_16 = arith.addi %scan3A_14, %scan3A_15 : i32
    %scan3A_17 = arith.constant 1 : i32
    scf.for %scan3A_31 = %scan3A_14 to %scan3A_16 step %scan3A_17  : i32 {
      %lt3A = arith.constant 160 : i32
      %lt3A_32 = arith.cmpi slt, %scan3A_31, %lt3A : i32
      %convert_element_type3A_33 = arith.extui %lt3A_32 : i1 to i32
      %cond3A_34 = arith.constant 0 : i32
      %cond3A_35 = arith.cmpi ne, %convert_element_type3A_33, %cond3A_34 : i32
      scf.if %cond3A_35 {
        %rem3A = arith.constant 8 : i32
        %rem3A_46 = arith.remsi %scan3A_31, %rem3A : i32
        %dma_start3A = arith.constant 0 : i32
        %dma_start3A_47 = arith.constant 0 : i32
        %dma_start3A_48 = tpu.memref_slice %arg13[%rem3A_46, %dma_start3A, %dma_start3A_47] : memref<8x125x64xbf16, #tpu.memory_space<vmem>> -> memref<1x125x64xbf16, #tpu.memory_space<vmem>>
        %dma_start3A_49 = tpu.memref_squeeze %dma_start3A_48 : memref<1x125x64xbf16, #tpu.memory_space<vmem>> -> memref<125x64xbf16, #tpu.memory_space<vmem>>
        %dma_start3A_50 = arith.constant 0 : i32
        %dma_start3A_51 = tpu.memref_slice %arg11[%scan3A_31, %dma_start3A_50] : memref<160x125xi32, #tpu.memory_space<vmem>> -> memref<1x125xi32, #tpu.memory_space<vmem>>
        %dma_start3A_52 = tpu.memref_squeeze %dma_start3A_51 : memref<1x125xi32, #tpu.memory_space<vmem>> -> memref<125xi32, #tpu.memory_space<vmem>>
        %dma_start3A_53 = arith.constant 0 : i32
        %dma_start3A_54 = arith.constant 0 : i32
        %dma_start3A_55 = tpu.memref_slice %arg2[%dma_start3A_53, %dma_start3A_54] : memref<20000x64xbf16, #tpu.memory_space<hbm>> -> memref<20000x64xbf16, #tpu.memory_space<hbm>>
        tpu.enqueue_indirect_dma source(%dma_start3A_55 : memref<20000x64xbf16, #tpu.memory_space<hbm>>) target(%dma_start3A_49 : memref<125x64xbf16, #tpu.memory_space<vmem>>) offsets(%dma_start3A_52 : memref<125xi32, #tpu.memory_space<vmem>>) semaphore(%arg15 : memref<!tpu.dma_semaphore, #tpu.memory_space<semaphore_mem>>)
      } else {
      }
      %ge3A = arith.constant 3 : i32
      %ge3A_36 = arith.cmpi sge, %scan3A_31, %ge3A : i32
      %le3A = arith.constant 162 : i32
      %le3A_37 = arith.cmpi sle, %scan3A_31, %le3A : i32
      %and3A = arith.andi %ge3A_36, %le3A_37 : i1
      %convert_element_type3A_38 = arith.extui %and3A : i1 to i32
      %cond3A_39 = arith.constant 0 : i32
      %cond3A_40 = arith.cmpi ne, %convert_element_type3A_38, %cond3A_39 : i32
      scf.if %cond3A_40 {
        %dma_wait3A = arith.constant 0 : i32
        %dma_wait3A_46 = arith.constant 0 : i32
        %dma_wait3A_47 = arith.constant 0 : i32
        %dma_wait3A_48 = tpu.memref_slice %arg13[%dma_wait3A, %dma_wait3A_46, %dma_wait3A_47] : memref<8x125x64xbf16, #tpu.memory_space<vmem>> -> memref<1x125x64xbf16, #tpu.memory_space<vmem>>
        %dma_wait3A_49 = tpu.memref_squeeze %dma_wait3A_48 : memref<1x125x64xbf16, #tpu.memory_space<vmem>> -> memref<125x64xbf16, #tpu.memory_space<vmem>>
        %dma_wait3A_50 = arith.constant 0 : i32
        %dma_wait3A_51 = arith.constant 0 : i32
        %dma_wait3A_52 = tpu.memref_slice %arg6[%dma_wait3A_50, %dma_wait3A_51] : memref<20000x64xbf16, #tpu.memory_space<hbm>> -> memref<125x64xbf16, #tpu.memory_space<hbm>>
        %dma_wait3A_53 = arith.constant 0 : i32
        %dma_wait3A_54 = arith.constant 0 : i32
        %dma_wait3A_55 = tpu.memref_slice %arg13[%dma_wait3A, %dma_wait3A_53, %dma_wait3A_54] : memref<8x125x64xbf16, #tpu.memory_space<vmem>> -> memref<1x125x64xbf16, #tpu.memory_space<vmem>>
        %dma_wait3A_56 = tpu.memref_squeeze %dma_wait3A_55 : memref<1x125x64xbf16, #tpu.memory_space<vmem>> -> memref<125x64xbf16, #tpu.memory_space<vmem>>
        %dma_wait3A_57 = arith.constant 0 : i32
        %dma_wait3A_58 = arith.constant 0 : i32
        %dma_wait3A_59 = tpu.memref_slice %arg6[%dma_wait3A_57, %dma_wait3A_58] : memref<20000x64xbf16, #tpu.memory_space<hbm>> -> memref<125x64xbf16, #tpu.memory_space<hbm>>
        tpu.wait_dma2 semaphore(%arg15 : memref<!tpu.dma_semaphore, #tpu.memory_space<semaphore_mem>>) src(%dma_wait3A_59 : memref<125x64xbf16, #tpu.memory_space<hbm>>) dst(%dma_wait3A_56 : memref<125x64xbf16, #tpu.memory_space<vmem>>)
        %sub3A = arith.constant 3 : i32
        %sub3A_60 = arith.subi %scan3A_31, %sub3A : i32
        %rem3A = arith.constant 8 : i32
        %rem3A_61 = arith.remsi %sub3A_60, %rem3A : i32
        %dma_start3A = arith.constant 0 : i32
        %dma_start3A_62 = arith.constant 0 : i32
        %dma_start3A_63 = tpu.memref_slice %arg13[%rem3A_61, %dma_start3A, %dma_start3A_62] : memref<8x125x64xbf16, #tpu.memory_space<vmem>> -> memref<1x125x64xbf16, #tpu.memory_space<vmem>>
        %dma_start3A_64 = tpu.memref_squeeze %dma_start3A_63 : memref<1x125x64xbf16, #tpu.memory_space<vmem>> -> memref<125x64xbf16, #tpu.memory_space<vmem>>
        %dma_start3A_65 = arith.constant 0 : i32
        %dma_start3A_66 = tpu.memref_slice %arg12[%sub3A_60, %dma_start3A_65] : memref<160x125xi32, #tpu.memory_space<vmem>> -> memref<1x125xi32, #tpu.memory_space<vmem>>
        %dma_start3A_67 = tpu.memref_squeeze %dma_start3A_66 : memref<1x125xi32, #tpu.memory_space<vmem>> -> memref<125xi32, #tpu.memory_space<vmem>>
        %dma_start3A_68 = arith.constant 0 : i32
        %dma_start3A_69 = arith.constant 0 : i32
        %dma_start3A_70 = tpu.memref_slice %arg14[%dma_start3A_68, %dma_start3A_69] : memref<10000x64xbf16, #tpu.memory_space<vmem_shared>> -> memref<10000x64xbf16, #tpu.memory_space<vmem_shared>>
        tpu.enqueue_indirect_dma source(%dma_start3A_64 : memref<125x64xbf16, #tpu.memory_space<vmem>>) target(%dma_start3A_70 : memref<10000x64xbf16, #tpu.memory_space<vmem_shared>>) offsets(%dma_start3A_67 : memref<125xi32, #tpu.memory_space<vmem>>) semaphore(%arg16 : memref<!tpu.dma_semaphore, #tpu.memory_space<semaphore_mem>>) {add = true}
        "tpu.region"() ({
          %run_scoped3A = tpu.sem_alloc : memref<!tpu.dma_semaphore, #tpu.memory_space<semaphore_mem>>
          %dma_start3A_71 = arith.constant 0 : i32
          %dma_start3A_72 = tpu.memref_slice %arg12[%sub3A_60, %dma_start3A_71] : memref<160x125xi32, #tpu.memory_space<vmem>> -> memref<1x125xi32, #tpu.memory_space<vmem>>
          %dma_start3A_73 = tpu.memref_squeeze %dma_start3A_72 : memref<1x125xi32, #tpu.memory_space<vmem>> -> memref<125xi32, #tpu.memory_space<vmem>>
          %dma_start3A_74 = arith.constant 0 : i32
          %dma_start3A_75 = arith.constant 0 : i32
          %dma_start3A_76 = tpu.memref_slice %arg18[%dma_start3A_74, %dma_start3A_75] : memref<10000x8xf32, #tpu.memory_space<vmem_shared>> -> memref<10000x8xf32, #tpu.memory_space<vmem_shared>>
          tpu.enqueue_indirect_dma source(%arg17 : memref<125x8xf32, #tpu.memory_space<vmem>>) target(%dma_start3A_76 : memref<10000x8xf32, #tpu.memory_space<vmem_shared>>) offsets(%dma_start3A_73 : memref<125xi32, #tpu.memory_space<vmem>>) semaphore(%run_scoped3A : memref<!tpu.dma_semaphore, #tpu.memory_space<semaphore_mem>>) {add = true}
          %dma_wait3A_77 = arith.constant 0 : i32
          %dma_wait3A_78 = tpu.memref_slice %arg12[%sub3A_60, %dma_wait3A_77] : memref<160x125xi32, #tpu.memory_space<vmem>> -> memref<1x125xi32, #tpu.memory_space<vmem>>
          %dma_wait3A_79 = tpu.memref_squeeze %dma_wait3A_78 : memref<1x125xi32, #tpu.memory_space<vmem>> -> memref<125xi32, #tpu.memory_space<vmem>>
          %dma_wait3A_80 = arith.constant 0 : i32
          %dma_wait3A_81 = arith.constant 0 : i32
          %dma_wait3A_82 = tpu.memref_slice %arg18[%dma_wait3A_80, %dma_wait3A_81] : memref<10000x8xf32, #tpu.memory_space<vmem_shared>> -> memref<10000x8xf32, #tpu.memory_space<vmem_shared>>
          tpu.wait_indirect_dma semaphore(%run_scoped3A : memref<!tpu.dma_semaphore, #tpu.memory_space<semaphore_mem>>) src(%arg17 : memref<125x8xf32, #tpu.memory_space<vmem>>) dst(%dma_wait3A_82 : memref<10000x8xf32, #tpu.memory_space<vmem_shared>>)
          tpu.yield
        }) : () -> ()
      } else {
      }
      %ge3A_41 = arith.constant 7 : i32
      %ge3A_42 = arith.cmpi sge, %scan3A_31, %ge3A_41 : i32
      %convert_element_type3A_43 = arith.extui %ge3A_42 : i1 to i32
      %cond3A_44 = arith.constant 0 : i32
      %cond3A_45 = arith.cmpi ne, %convert_element_type3A_43, %cond3A_44 : i32
      scf.if %cond3A_45 {
        %dma_wait3A = arith.constant 0 : i32
        %dma_wait3A_46 = arith.constant 0 : i32
        %dma_wait3A_47 = tpu.memref_slice %arg14[%dma_wait3A, %dma_wait3A_46] : memref<10000x64xbf16, #tpu.memory_space<vmem_shared>> -> memref<125x64xbf16, #tpu.memory_space<vmem_shared>>
        %dma_wait3A_48 = arith.constant 0 : i32
        %dma_wait3A_49 = arith.constant 0 : i32
        %dma_wait3A_50 = tpu.memref_slice %arg6[%dma_wait3A_48, %dma_wait3A_49] : memref<20000x64xbf16, #tpu.memory_space<hbm>> -> memref<125x64xbf16, #tpu.memory_space<hbm>>
        tpu.wait_dma2 semaphore(%arg16 : memref<!tpu.dma_semaphore, #tpu.memory_space<semaphore_mem>>) src(%dma_wait3A_50 : memref<125x64xbf16, #tpu.memory_space<hbm>>) dst(%dma_wait3A_47 : memref<125x64xbf16, #tpu.memory_space<vmem_shared>>)
      } else {
      }
    }
    %scan3A_18 = arith.constant 167 : i32
    %barrier3A_19 = arith.constant 0 : index
    tpu.barrier barrier_id(%barrier3A_19)
    %mul3A_20 = arith.constant 625 : i32
    %mul3A_21 = arith.muli %arg1, %mul3A_20 : i32
    %mul3A_22 = arith.constant 625 : i32
    %mul3A_23 = arith.muli %arg1, %mul3A_22 : i32
    %mul3A_24 = arith.constant 64 : i32
    %mul3A_25 = arith.muli %arg0, %mul3A_24 : i32
    "tpu.region"() ({
      %run_scoped3A = tpu.sem_alloc : memref<!tpu.dma_semaphore, #tpu.memory_space<semaphore_mem>>
      %dma_start3A = tpu.memref_slice %arg9[%mul3A_23, %mul3A_25] : memref<10000x128xbf16, #tpu.memory_space<hbm>> -> memref<625x64xbf16, #tpu.memory_space<hbm>>
      %dma_start3A_31 = arith.constant 0 : i32
      %dma_start3A_32 = tpu.memref_slice %arg14[%mul3A_21, %dma_start3A_31] : memref<10000x64xbf16, #tpu.memory_space<vmem_shared>> -> memref<625x64xbf16, #tpu.memory_space<vmem_shared>>
      tpu.enqueue_dma source(%dma_start3A_32 : memref<625x64xbf16, #tpu.memory_space<vmem_shared>>) target(%dma_start3A : memref<625x64xbf16, #tpu.memory_space<hbm>>) target_semaphore(%run_scoped3A : memref<!tpu.dma_semaphore, #tpu.memory_space<semaphore_mem>>)
      %dma_wait3A = tpu.memref_slice %arg9[%mul3A_23, %mul3A_25] : memref<10000x128xbf16, #tpu.memory_space<hbm>> -> memref<625x64xbf16, #tpu.memory_space<hbm>>
      %dma_wait3A_33 = arith.constant 0 : i32
      %dma_wait3A_34 = tpu.memref_slice %arg14[%mul3A_21, %dma_wait3A_33] : memref<10000x64xbf16, #tpu.memory_space<vmem_shared>> -> memref<625x64xbf16, #tpu.memory_space<vmem_shared>>
      tpu.wait_dma2 semaphore(%run_scoped3A : memref<!tpu.dma_semaphore, #tpu.memory_space<semaphore_mem>>) src(%dma_wait3A_34 : memref<625x64xbf16, #tpu.memory_space<vmem_shared>>) dst(%dma_wait3A : memref<625x64xbf16, #tpu.memory_space<hbm>>)
      tpu.yield
    }) : () -> ()
    %eq3A_26 = arith.constant 0 : i32
    %eq3A_27 = arith.cmpi eq, %arg0, %eq3A_26 : i32
    %convert_element_type3A_28 = arith.extui %eq3A_27 : i1 to i32
    %cond3A_29 = arith.constant 0 : i32
    %cond3A_30 = arith.cmpi ne, %convert_element_type3A_28, %cond3A_29 : i32
    scf.if %cond3A_30 {
      %mul3A_31 = arith.constant 625 : i32
      %mul3A_32 = arith.muli %arg1, %mul3A_31 : i32
      %mul3A_33 = arith.constant 625 : i32
      %mul3A_34 = arith.muli %arg1, %mul3A_33 : i32
      "tpu.region"() ({
        %run_scoped3A = tpu.sem_alloc : memref<!tpu.dma_semaphore, #tpu.memory_space<semaphore_mem>>
        %dma_start3A = arith.constant 0 : i32
        %dma_start3A_35 = tpu.memref_slice %arg10[%mul3A_34, %dma_start3A] : memref<10000x8xf32, #tpu.memory_space<hbm>> -> memref<625x8xf32, #tpu.memory_space<hbm>>
        %dma_start3A_36 = arith.constant 0 : i32
        %dma_start3A_37 = tpu.memref_slice %arg18[%mul3A_32, %dma_start3A_36] : memref<10000x8xf32, #tpu.memory_space<vmem_shared>> -> memref<625x8xf32, #tpu.memory_space<vmem_shared>>
        tpu.enqueue_dma source(%dma_start3A_37 : memref<625x8xf32, #tpu.memory_space<vmem_shared>>) target(%dma_start3A_35 : memref<625x8xf32, #tpu.memory_space<hbm>>) target_semaphore(%run_scoped3A : memref<!tpu.dma_semaphore, #tpu.memory_space<semaphore_mem>>)
        %dma_wait3A = arith.constant 0 : i32
        %dma_wait3A_38 = tpu.memref_slice %arg10[%mul3A_34, %dma_wait3A] : memref<10000x8xf32, #tpu.memory_space<hbm>> -> memref<625x8xf32, #tpu.memory_space<hbm>>
        %dma_wait3A_39 = arith.constant 0 : i32
        %dma_wait3A_40 = tpu.memref_slice %arg18[%mul3A_32, %dma_wait3A_39] : memref<10000x8xf32, #tpu.memory_space<vmem_shared>> -> memref<625x8xf32, #tpu.memory_space<vmem_shared>>
        tpu.wait_dma2 semaphore(%run_scoped3A : memref<!tpu.dma_semaphore, #tpu.memory_space<semaphore_mem>>) src(%dma_wait3A_40 : memref<625x8xf32, #tpu.memory_space<vmem_shared>>) dst(%dma_wait3A_38 : memref<625x8xf32, #tpu.memory_space<hbm>>)
        tpu.yield
      }) : () -> ()
    } else {
    }
    return
  }
}

module attributes {stable_mosaic.version = 14 : i64} {
  func.func @body(%arg0: memref<10000x128xbf16, #tpu.memory_space<vmem>>, %arg1: memref<10000x8xf32, #tpu.memory_space<vmem>>, %arg2: memref<10000x128xf32, #tpu.memory_space<vmem>>, %arg3: memref<128x256xf32, #tpu.memory_space<vmem>>, %arg4: memref<1x256xf32, #tpu.memory_space<vmem>>, %arg5: memref<128x256xf32, #tpu.memory_space<vmem>>, %arg6: memref<1x256xf32, #tpu.memory_space<vmem>>, %arg7: memref<1x256xf32, #tpu.memory_space<vmem>>, %arg8: memref<256x128xf32, #tpu.memory_space<vmem>>, %arg9: memref<1x128xf32, #tpu.memory_space<vmem>>, %arg10: memref<256x128xf32, #tpu.memory_space<vmem>>, %arg11: memref<10000x128xbf16, #tpu.memory_space<vmem>>, %arg12: memref<10000x128xf32, #tpu.memory_space<vmem>>) attributes {dimension_semantics = [], scalar_prefetch = 0 : i64, scratch_operands = 0 : i64, tpu.core_type = #tpu.core_type<tc>} {
    %get3A = arith.constant 0 : index
    %get3A_0 = arith.constant 0 : index
    %get3A_1 = vector.load %arg1[%get3A, %get3A_0] : memref<10000x8xf32, #tpu.memory_space<vmem>>, vector<10000x1xf32>
    %max3A = arith.constant 1.000000e+00 : f32
    %max3A_2 = vector.broadcast %max3A : f32 to vector<10000x1xf32>
    %max3A_3 = arith.maximumf %get3A_1, %max3A_2 : vector<10000x1xf32>
    %div3A = arith.constant 1.000000e+00 : f32
    %div3A_4 = vector.broadcast %div3A : f32 to vector<10000x1xf32>
    %div3A_5 = arith.divf %div3A_4, %max3A_3 : vector<10000x1xf32>
    %get3A_6 = arith.constant 0 : index
    %get3A_7 = arith.constant 0 : index
    %get3A_8 = vector.load %arg0[%get3A_6, %get3A_7] : memref<10000x128xbf16, #tpu.memory_space<vmem>>, vector<10000x128xbf16>
    %convert_element_type3A = arith.extf %get3A_8 : vector<10000x128xbf16> to vector<10000x128xf32>
    %mul3A = vector.broadcast %div3A_5 : vector<10000x1xf32> to vector<10000x128xf32>
    %mul3A_9 = arith.mulf %convert_element_type3A, %mul3A : vector<10000x128xf32>
    %get3A_10 = arith.constant 0 : index
    %get3A_11 = arith.constant 0 : index
    %get3A_12 = vector.load %arg3[%get3A_10, %get3A_11] : memref<128x256xf32, #tpu.memory_space<vmem>>, vector<128x256xf32>
    %dot_general3A = arith.constant dense<0.000000e+00> : vector<10000x256xf32>
    %dot_general3A_13 = tpu.matmul %mul3A_9, %get3A_12, %dot_general3A {dimension_numbers = #tpu.dot_dimension_numbers<[1], [0], [0], [1], [0, 0, 1, 1], [], []>, transpose_lhs_hint = false} : vector<10000x128xf32>, vector<128x256xf32>, vector<10000x256xf32> -> vector<10000x256xf32>
    %get3A_14 = arith.constant 0 : index
    %get3A_15 = arith.constant 0 : index
    %get3A_16 = vector.load %arg4[%get3A_14, %get3A_15] : memref<1x256xf32, #tpu.memory_space<vmem>>, vector<1x256xf32>
    %add3A = vector.broadcast %get3A_16 : vector<1x256xf32> to vector<10000x256xf32>
    %add3A_17 = arith.addf %dot_general3A_13, %add3A : vector<10000x256xf32>
    %get3A_18 = arith.constant 0 : index
    %get3A_19 = arith.constant 0 : index
    %get3A_20 = vector.load %arg2[%get3A_18, %get3A_19] : memref<10000x128xf32, #tpu.memory_space<vmem>>, vector<10000x128xf32>
    %get3A_21 = arith.constant 0 : index
    %get3A_22 = arith.constant 0 : index
    %get3A_23 = vector.load %arg5[%get3A_21, %get3A_22] : memref<128x256xf32, #tpu.memory_space<vmem>>, vector<128x256xf32>
    %dot_general3A_24 = arith.constant dense<0.000000e+00> : vector<10000x256xf32>
    %dot_general3A_25 = tpu.matmul %get3A_20, %get3A_23, %dot_general3A_24 {dimension_numbers = #tpu.dot_dimension_numbers<[1], [0], [0], [1], [0, 0, 1, 1], [], []>, transpose_lhs_hint = false} : vector<10000x128xf32>, vector<128x256xf32>, vector<10000x256xf32> -> vector<10000x256xf32>
    %add3A_26 = arith.addf %add3A_17, %dot_general3A_25 : vector<10000x256xf32>
    %reduce_sum3A = arith.constant dense<0.000000e+00> : vector<256xf32>
    %reduce_sum3A_27 = vector.multi_reduction <add>, %add3A_26, %reduce_sum3A [0] : vector<10000x256xf32> to vector<256xf32>
    %broadcast_in_dim3A = vector.shape_cast %reduce_sum3A_27 : vector<256xf32> to vector<1x256xf32>
    %div3A_28 = arith.constant 1.000000e+04 : f32
    %div3A_29 = vector.broadcast %div3A_28 : f32 to vector<1x256xf32>
    %div3A_30 = arith.divf %broadcast_in_dim3A, %div3A_29 : vector<1x256xf32>
    %sub3A = vector.broadcast %div3A_30 : vector<1x256xf32> to vector<10000x256xf32>
    %sub3A_31 = arith.subf %add3A_26, %sub3A : vector<10000x256xf32>
    %integer_pow3A = arith.mulf %sub3A_31, %sub3A_31 : vector<10000x256xf32>
    %reduce_sum3A_32 = arith.constant dense<0.000000e+00> : vector<256xf32>
    %reduce_sum3A_33 = vector.multi_reduction <add>, %integer_pow3A, %reduce_sum3A_32 [0] : vector<10000x256xf32> to vector<256xf32>
    %broadcast_in_dim3A_34 = vector.shape_cast %reduce_sum3A_33 : vector<256xf32> to vector<1x256xf32>
    %div3A_35 = arith.constant 1.000000e+04 : f32
    %div3A_36 = vector.broadcast %div3A_35 : f32 to vector<1x256xf32>
    %div3A_37 = arith.divf %broadcast_in_dim3A_34, %div3A_36 : vector<1x256xf32>
    %sub3A_38 = vector.broadcast %div3A_30 : vector<1x256xf32> to vector<10000x256xf32>
    %sub3A_39 = arith.subf %add3A_26, %sub3A_38 : vector<10000x256xf32>
    %add3A_40 = arith.constant 9.99999974E-6 : f32
    %add3A_41 = vector.broadcast %add3A_40 : f32 to vector<1x256xf32>
    %add3A_42 = arith.addf %div3A_37, %add3A_41 : vector<1x256xf32>
    %sqrt3A = math.sqrt %add3A_42 : vector<1x256xf32>
    %div3A_43 = vector.broadcast %sqrt3A : vector<1x256xf32> to vector<10000x256xf32>
    %div3A_44 = arith.divf %sub3A_39, %div3A_43 : vector<10000x256xf32>
    %get3A_45 = arith.constant 0 : index
    %get3A_46 = arith.constant 0 : index
    %get3A_47 = vector.load %arg6[%get3A_45, %get3A_46] : memref<1x256xf32, #tpu.memory_space<vmem>>, vector<1x256xf32>
    %mul3A_48 = vector.broadcast %get3A_47 : vector<1x256xf32> to vector<10000x256xf32>
    %mul3A_49 = arith.mulf %div3A_44, %mul3A_48 : vector<10000x256xf32>
    %get3A_50 = arith.constant 0 : index
    %get3A_51 = arith.constant 0 : index
    %get3A_52 = vector.load %arg7[%get3A_50, %get3A_51] : memref<1x256xf32, #tpu.memory_space<vmem>>, vector<1x256xf32>
    %add3A_53 = vector.broadcast %get3A_52 : vector<1x256xf32> to vector<10000x256xf32>
    %add3A_54 = arith.addf %mul3A_49, %add3A_53 : vector<10000x256xf32>
    %max3A_55 = arith.constant 0.000000e+00 : f32
    %max3A_56 = vector.broadcast %max3A_55 : f32 to vector<10000x256xf32>
    %max3A_57 = arith.maximumf %add3A_54, %max3A_56 : vector<10000x256xf32>
    %get3A_58 = arith.constant 0 : index
    %get3A_59 = arith.constant 0 : index
    %get3A_60 = vector.load %arg8[%get3A_58, %get3A_59] : memref<256x128xf32, #tpu.memory_space<vmem>>, vector<256x128xf32>
    %dot_general3A_61 = arith.constant dense<0.000000e+00> : vector<10000x128xf32>
    %dot_general3A_62 = tpu.matmul %max3A_57, %get3A_60, %dot_general3A_61 {dimension_numbers = #tpu.dot_dimension_numbers<[1], [0], [0], [1], [0, 0, 1, 1], [], []>, transpose_lhs_hint = false} : vector<10000x256xf32>, vector<256x128xf32>, vector<10000x128xf32> -> vector<10000x128xf32>
    %convert_element_type3A_63 = arith.truncf %dot_general3A_62 : vector<10000x128xf32> to vector<10000x128xbf16>
    %swap3A = arith.constant 0 : index
    %swap3A_64 = arith.constant 0 : index
    %swap3A_65 = vector.load %arg11[%swap3A, %swap3A_64] : memref<10000x128xbf16, #tpu.memory_space<vmem>>, vector<10000x128xbf16>
    tpu.vector_store %arg11[%swap3A, %swap3A_64], %convert_element_type3A_63 {strides = array<i32>} : memref<10000x128xbf16, #tpu.memory_space<vmem>>, vector<10000x128xbf16>,
    %get3A_66 = arith.constant 0 : index
    %get3A_67 = arith.constant 0 : index
    %get3A_68 = vector.load %arg10[%get3A_66, %get3A_67] : memref<256x128xf32, #tpu.memory_space<vmem>>, vector<256x128xf32>
    %dot_general3A_69 = arith.constant dense<0.000000e+00> : vector<10000x128xf32>
    %dot_general3A_70 = tpu.matmul %max3A_57, %get3A_68, %dot_general3A_69 {dimension_numbers = #tpu.dot_dimension_numbers<[1], [0], [0], [1], [0, 0, 1, 1], [], []>, transpose_lhs_hint = false} : vector<10000x256xf32>, vector<256x128xf32>, vector<10000x128xf32> -> vector<10000x128xf32>
    %get3A_71 = arith.constant 0 : index
    %get3A_72 = arith.constant 0 : index
    %get3A_73 = vector.load %arg9[%get3A_71, %get3A_72] : memref<1x128xf32, #tpu.memory_space<vmem>>, vector<1x128xf32>
    %add3A_74 = vector.broadcast %get3A_73 : vector<1x128xf32> to vector<10000x128xf32>
    %add3A_75 = arith.addf %dot_general3A_70, %add3A_74 : vector<10000x128xf32>
    %swap3A_76 = arith.constant 0 : index
    %swap3A_77 = arith.constant 0 : index
    %swap3A_78 = vector.load %arg12[%swap3A_76, %swap3A_77] : memref<10000x128xf32, #tpu.memory_space<vmem>>, vector<10000x128xf32>
    tpu.vector_store %arg12[%swap3A_76, %swap3A_77], %add3A_75 {strides = array<i32>} : memref<10000x128xf32, #tpu.memory_space<vmem>>, vector<10000x128xf32>,
    return
  }
}

module attributes {stable_mosaic.version = 14 : i64} {
  func.func @body(%arg0: memref<10000x128xbf16, #tpu.memory_space<vmem>>, %arg1: memref<10000x8xf32, #tpu.memory_space<vmem>>, %arg2: memref<10000x128xf32, #tpu.memory_space<vmem>>, %arg3: memref<10000x128xf32, #tpu.memory_space<vmem>>) attributes {dimension_semantics = [], scalar_prefetch = 0 : i64, scratch_operands = 0 : i64, tpu.core_type = #tpu.core_type<tc>} {
    %get3A = arith.constant 0 : index
    %get3A_0 = arith.constant 0 : index
    %get3A_1 = vector.load %arg1[%get3A, %get3A_0] : memref<10000x8xf32, #tpu.memory_space<vmem>>, vector<10000x1xf32>
    %max3A = arith.constant 1.000000e+00 : f32
    %max3A_2 = vector.broadcast %max3A : f32 to vector<10000x1xf32>
    %max3A_3 = arith.maximumf %get3A_1, %max3A_2 : vector<10000x1xf32>
    %div3A = arith.constant 1.000000e+00 : f32
    %div3A_4 = vector.broadcast %div3A : f32 to vector<10000x1xf32>
    %div3A_5 = arith.divf %div3A_4, %max3A_3 : vector<10000x1xf32>
    %get3A_6 = arith.constant 0 : index
    %get3A_7 = arith.constant 0 : index
    %get3A_8 = vector.load %arg0[%get3A_6, %get3A_7] : memref<10000x128xbf16, #tpu.memory_space<vmem>>, vector<10000x128xbf16>
    %convert_element_type3A = arith.extf %get3A_8 : vector<10000x128xbf16> to vector<10000x128xf32>
    %mul3A = vector.broadcast %div3A_5 : vector<10000x1xf32> to vector<10000x128xf32>
    %mul3A_9 = arith.mulf %convert_element_type3A, %mul3A : vector<10000x128xf32>
    %get3A_10 = arith.constant 0 : index
    %get3A_11 = arith.constant 0 : index
    %get3A_12 = vector.load %arg2[%get3A_10, %get3A_11] : memref<10000x128xf32, #tpu.memory_space<vmem>>, vector<10000x128xf32>
    %add3A = arith.addf %mul3A_9, %get3A_12 : vector<10000x128xf32>
    %swap3A = arith.constant 0 : index
    %swap3A_13 = arith.constant 0 : index
    %swap3A_14 = vector.load %arg3[%swap3A, %swap3A_13] : memref<10000x128xf32, #tpu.memory_space<vmem>>, vector<10000x128xf32>
    tpu.vector_store %arg3[%swap3A, %swap3A_13], %add3A {strides = array<i32>} : memref<10000x128xf32, #tpu.memory_space<vmem>>, vector<10000x128xf32>,
    return
  }
}

</mosaic_0001>

<sc_bundles>
// kernel: kernel.6.cloned.1.call-start
scs
__scs_entry_jumppad:
0x0: {  	(pc) =	sbr.rel $0x88, $3  }
0x1: {  	(tag) =	ssettag $0x0;
	lr =	simm.s32 $0x1  }
0x2: {  	[smem:$0x3F97] =	sst lr;
	_ =	strace $0xD0000000  }
0x3: {  	_ = 	snop  }
0x4: {  	_ = 	snop  }
0x5: {  	_ = 	snop  }
0x6: {  	_ = 	snop  }
0x7: {  	_ = 	snop  }
__scs_overlays_trampoline_lowered:
0x8: {  	[smem:$0x3FA6] =	sst s0  }
0x9: {  	[smem:$0x3FA7] =	sst s1  }
0xa: {  	[smem:$0x3FA8] =	sst s2  }
0xb: {  	[smem:$0x3FA9] =	sst s3  }
0xc: {  	[smem:$0x3FAA] =	sst s4  }
0xd: {  	[smem:$0x3FAB] =	sst s5  }
0xe: {  	[smem:$0x3FAC] =	sst s6  }
0xf: {  	[smem:$0x3FAD] =	sst s7  }
0x10: {  	[smem:$0x3FAE] =	sst s8  }
0x11: {  	[smem:$0x3FAF] =	sst s9;
	s0 =	simm.s32 @!p0 $0x0  }
0x12: {  	s1 =	sld [smem:$0x3F95];
	s0 =	simm.s32 @p0 $0x1  }
0x13: {  	[smem:$0x3FB0] =	sst s0;
	s0 =	simm.s32 @!p1 $0x0  }
0x14: {  	s2 =	sld [smem:$0x3F94];
	s0 =	simm.s32 @p1 $0x1  }
0x15: {  	[smem:$0x3FB1] =	sst s0;
	s0 =	simm.s32 @!p2 $0x0  }
0x16: {  	s3 =	sld [smem:$0x3FDB];
	s0 =	simm.s32 @p2 $0x1  }
0x17: {  	s4 =	simm.s32 $0x1BF5;
	[smem:$0x3FB3] =	sst s0  }
0x18: {  	s0 =	sld [smem:$0x3F96];
	_ =	swait.ge [sflag:s4], $0x0  }
0x19: {  	s7 =	sld [smem:$0x3F97]  }
0x1a: {  	s8 =	sadd.s32 $0xFFFFE003, lr  }
0x1b: {  	s9 =	sadd.s32 $0xFFFFFEF7, lr;
	s5 =	simm.s32 $0xFFFFFFFF;
	p2 =	slt.u32 s8, $0xFFFFF086  }
0x1c: {  	p1 =	slt.u32 s9, $0xF7A;
	s5 =	simm.s32 @!p2 $0x0  }
0x1d: {  	s5 =	simm.s32 @p1 $0x1;
	p0 =	seq.s32 s7, s2  }
0x1e: {  	s7 =	smul.u32 @!p0 $0xF7A, s2;
	p2 =	seq.s32 @!p0 s5, $0x0  }
0x1f: {  	s9 =	smul.u32 $0xF7A, s1;
	s8 =	simm.s32 @!p0 $0x1BF5;
	p2 =	por !p2, p0  }
0x20: {  	[sflag:s8] =	ssyncset.s32 @!p0 $0xFFFFF086;
	s6 =	sadd.s32 @!p0 s3, s7;
	s7 =	simm.s32 @!p0 $0x108  }
0x21: {  	s3 =	sadd.s32 s3, s9;
	s6 =	sadd.s32 @!p0 $0x88, s6;
	s7 =	simm.s32 @p2 $0x1082  }
0x22: {  	[simem:s7], [sflag:s8] =	dma.local @!p0 [hbm:s6], $0xF7A  }
0x23: {  	s9 =	sor.u32 $0xD0000000, s2;
	s6 =	simm.s32 $0x108;
	_ =	swait.ge @!p0 [sflag:s8], $0x0  }
0x24: {  	s3 =	sadd.s32 $0x88, s3;
	s6 =	simm.s32 @!p1 $0x1082;
	[sflag:s4] =	ssyncset.s32 $0xFFFFF086  }
0x25: {  	[simem:s6], [sflag:s4] =	dma.local [hbm:s3], $0xF7A  }
0x26: {  	[smem:$0x3F97] =	sst s1;
	(tag) =	ssettag s2;
	_ =	strace s9  }
0x27: {  	s1 =	sld [smem:$0x3FA7]  }
0x28: {  	s2 =	sld [smem:$0x3FA8]  }
0x29: {  	s4 =	sld [smem:$0x3FAA]  }
0x2a: {  	p0 =	seq.s32 s5, $0x0;
	s5 =	sld [smem:$0x3FAB]  }
0x2b: {  	s6 =	sld [smem:$0x3FAC]  }
0x2c: {  	s7 =	sld [smem:$0x3FAD]  }
0x2d: {  	s3 =	simm.s32 $0x108;
	s8 =	sld [smem:$0x3FAE]  }
0x2e: {  	s3 =	simm.s32 @!p0 $0x1082;
	s9 =	sld [smem:$0x3FAF]  }
0x2f: {  	lr =	sadd.s32 s0, s3;
	s0 =	sld [smem:$0x3FA6]  }
0x30: {  	s3 =	sld [smem:$0x3FA9]  }
0x31: {  	[smem:$0x3FB2] =	sst s10  }
0x32: {  	s10 =	sld [smem:$0x3FB0];
	_ =	sdelay $0x3  }
0x33: {  	p0 =	seq.s32 s10, $0x1;
	s10 =	sld [smem:$0x3FB2];
	_ =	sdelay $0x3  }
0x34: {  	[smem:$0x3FB2] =	sst s10  }
0x35: {  	s10 =	sld [smem:$0x3FB1];
	_ =	sdelay $0x3  }
0x36: {  	p1 =	seq.s32 s10, $0x1;
	s10 =	sld [smem:$0x3FB2];
	_ =	sdelay $0x3  }
0x37: {  	[smem:$0x3FB2] =	sst s10  }
0x38: {  	s10 =	sld [smem:$0x3FB3]  }
0x39: {  	_ = 	snop;
	(pc) =	sbr.ind lr, $3  }
0x3a: {  	_ = 	snop  }
0x3b: {  	_ = 	snop  }
0x3c: {  	p2 =	seq.s32 s10, $0x1;
	s10 =	sld [smem:$0x3FB2]  }
0x3d: {  	_ =	shalt  }
0x3e: {  	_ =	shalt  }
0x3f: {  	_ =	shalt  }
0x40: {  	_ =	shalt  }
0x41: {  	_ =	shalt  }
0x42: {  	_ =	shalt  }
0x43: {  	_ =	shalt  }
0x44: {  	_ =	shalt  }
0x45: {  	_ =	shalt  }
0x46: {  	_ =	shalt  }
0x47: {  	_ =	shalt  }
0x48: {  	_ =	shalt  }
0x49: {  	_ =	shalt  }
0x4a: {  	_ =	shalt  }
0x4b: {  	_ =	shalt  }
0x4c: {  	_ =	shalt  }
0x4d: {  	_ =	shalt  }
0x4e: {  	_ =	shalt  }
0x4f: {  	_ =	shalt  }
0x50: {  	_ =	shalt  }
0x51: {  	_ =	shalt  }
0x52: {  	_ =	shalt  }
0x53: {  	_ =	shalt  }
0x54: {  	_ =	shalt  }
0x55: {  	_ =	shalt  }
0x56: {  	_ =	shalt  }
0x57: {  	_ =	shalt  }
0x58: {  	_ =	shalt  }
0x59: {  	_ =	shalt  }
0x5a: {  	_ =	shalt  }
0x5b: {  	_ =	shalt  }
0x5c: {  	_ =	shalt  }
0x5d: {  	_ =	shalt  }
0x5e: {  	_ =	shalt  }
0x5f: {  	_ =	shalt  }
0x60: {  	_ =	shalt  }
0x61: {  	_ =	shalt  }
0x62: {  	_ =	shalt  }
0x63: {  	_ =	shalt  }
0x64: {  	_ =	shalt  }
0x65: {  	_ =	shalt  }
0x66: {  	_ =	shalt  }
0x67: {  	_ =	shalt  }
0x68: {  	_ =	shalt  }
0x69: {  	_ =	shalt  }
0x6a: {  	_ =	shalt  }
0x6b: {  	_ =	shalt  }
0x6c: {  	_ =	shalt  }
0x6d: {  	_ =	shalt  }
0x6e: {  	_ =	shalt  }
0x6f: {  	_ =	shalt  }
0x70: {  	_ =	shalt  }
0x71: {  	_ =	shalt  }
0x72: {  	_ =	shalt  }
0x73: {  	_ =	shalt  }
0x74: {  	_ =	shalt  }
0x75: {  	_ =	shalt  }
0x76: {  	_ =	shalt  }
0x77: {  	_ =	shalt  }
0x78: {  	_ =	shalt  }
0x79: {  	_ =	shalt  }
0x7a: {  	_ =	shalt  }
0x7b: {  	_ =	shalt  }
0x7c: {  	_ =	shalt  }
0x7d: {  	_ =	shalt  }
0x7e: {  	_ =	shalt  }
0x7f: {  	_ =	shalt  }
0x80: {  	_ =	shalt  }
0x81: {  	_ =	shalt  }
0x82: {  	_ =	shalt  }
0x83: {  	_ =	shalt  }
0x84: {  	_ =	shalt  }
0x85: {  	_ =	shalt  }
0x86: {  	_ =	shalt  }
0x87: {  	_ =	shalt  }
.Lfunc_end0:
.L_simem_size_0:
called_computation_lowered:
.L_overlay_start_0:
0x88: {  	s2 =	sld [smem:$0x3FD9]  }
0x89: {  	s3 =	sld [smem:$0x3FFE];
	_ =	sdelay $0x1  }
0x8a: {  	s1 =	srdreg.scid  }
0x8b: {  	s0 =	sand.u32 $0x1, s1  }
0x8c: {  	s17 =	sshll.u32 s0, $0xA;
	s2 =	sadd.s32 s3, s2  }
0x8d: {  	s2 =	sadd.s32 s2, s17  }
0x8e: {  	[smem:$0x3FBE] =	sst s2  }
0x8f: {  	_ = 	snop  }
0x90: {  	s2 =	sld [smem:$0x3FD0];
	(tm) =	ssettm $0x1  }
0x91: {  	s18 =	sld [smem:$0x3FFB];
	_ =	sdelay $0x3  }
0x92: {  	_ =	strace s18  }
0x93: {  	s3 =	sld [smem:$0x3FFC];
	_ =	sdelay $0x3  }
0x94: {  	_ =	strace s3  }
0x95: {  	s3 =	sld [smem:$0x3FFD];
	_ =	sdelay $0x3  }
0x96: {  	_ =	strace s3  }
0x97: {  	_ =	strace $0x8FFFFFFF  }
0x98: {  	s19 =	sld [smem:$0x3FDB];
	_ =	sdelay $0x1  }
0x99: {  	s4 =	simm.s32 $_scs_section_size  }
0x9a: {  	s5 =	simm.s32 $_size__tile_overlayer_lowered;
	s6 =	simm.s32 $_tile_overlayer_lowered  }
0x9b: {  	s22 =	simm.s32 $0x1BFF;
	s21 =	sshll.u32 s6, $0x1;
	s3 =	sadd.s32 s4, s19  }
0x9c: {  	s7 =	simm.s32 $0x0;
	s20 =	sshll.u32 s5, $0x1;
	s5 =	sadd.s32 s21, s3  }
0x9d: {  	[timem:s7], [sflag:s22] =	dma.local [hbm:s5], s20  }
0x9e: {  	_ =	swait.ge [sflag:s22], s20  }
0x9f: {  	s4 =	ssub.s32 $0x0, s20;
	[sflag:s22] =	ssyncset.done $0x0  }
0xa0: {  	[sflag:s22] =	ssyncadd.s32 s4;
	_ =	sdelay $0x1  }
0xa1: {  	s23 =	simm.s32 $0x1B8B  }
0xa2: {  	_ =	swait.ge [sflag:s23], $0x1  }
0xa3: {  	[sflag:s23] =	ssyncset.done $0x0  }
0xa4: {  	s25 =	simm.s32 $0x1B8E;
	s24 =	sld [smem:$0x3FFE];
	[sflag:s23] =	ssyncadd.s32 $0xFFFFFFFF  }
0xa5: {  	s26 =	simm.s32 $execute0_lowered;
	[smem:$0x3FD2] =	sst s25  }
0xa6: {  	s5 =	sshll.u32 s26, $0x1;
	_ =	strace $0x80000046;
	[dreg:$0x1] =	wrdreg $0xFFFFFFFF  }
0xa7: {  	s28 =	simm.s32 $_size_execute0_lowered;
	s3 =	sadd.s32 s3, s5;
	[dreg:$0x0] =	wrdreg $0x0  }
0xa8: {  	s5 =	sshll.u32 s28, $0x1;
	[dreg:$0x2] =	wrdreg s3  }
0xa9: {  	[dreg:$0x3] =	wrdreg s5  }
0xaa: {  	[dreg:$0x4] =	wrdreg $0xC0  }
0xab: {  	_ =	task [dreg:s7], $0x5FFFF  }
0xac: {  	[dreg:$0x1] =	wrdreg $0xFFFFFFFF  }
0xad: {  	[dreg:$0x0] =	wrdreg $0x60  }
0xae: {  	[dreg:$0x2] =	wrdreg s2  }
0xaf: {  	[dreg:$0x3] =	wrdreg s24  }
0xb0: {  	[dreg:$0x4] =	wrdreg $0x11D000  }
0xb1: {  	[dreg:$0x5] =	wrdreg $0x16F080  }
0xb2: {  	[dreg:$0x6] =	wrdreg $0x9  }
0xb3: {  	_ =	task.clear_ibuf [dreg:s7], $0x7FFFF;
	_ =	strace $0x90000046  }
0xb4: {  	s29 =	simm.s32 $0x9;
	_ =	strace $0x80000048  }
0xb5: {  	_ =	swait.ge [sflag:s29], $0x1  }
0xb6: {  	[sflag:s29] =	ssyncadd.s32 $0xFFFFFFFF  }
0xb7: {  	_ =	strace $0x90000048  }
0xb8: {  	_ =	sfence  }
0xb9: {  	s30 =	sld [smem:$0x0];
	_ =	sdelay $0x2  }
0xba: {  	s31 =	sshll.u32 s1, $0xD;
	s1 =	sshrl.u32 s1, $0x2  }
0xbb: {  	s3 =	sand.u32 $0x4000, s31;
	s1 =	sadd.s32 s1, s30  }
0xbc: {  	s0 =	sor.u32 s3, s0;
	s1 =	sshll.u32 s1, $0x11  }
0xbd: {  	s0 =	sor.u32 s1, s0  }
0xbe: {  	s0 =	sadd.s32 $0x8F2B, s0  }
0xbf: {  	[sflag:s0] =	ssyncadd.remote.s32 $0x1  }
0xc0: {  	_ =	sfence.sel $0xFFFF  }
0xc1: {  	[dreg:$0x0] =	wrdreg $0xFFFFFFFF;
	(pc) =	sbr.abs _section_cstart, $3  }
0xc2: {  	[dreg:$0x1] =	wrdreg $0xFFFFFFFF  }
0xc3: {  	_ =	task.clear_ibuf [dreg:s7], $0x2FFFF;
	_ =	strace $0x9FFFFFFF  }
0xc4: {  	(tm) =	ssettm $0x7FFFFFFF  }
0xc5: {  	_ =	shalt  }
tec
execute0_lowered:
.L_overlay_start_1:
0x0: {  	(tag) =	ssettag $0x1  }
0x1: {  	s1 =	rddreg [dreg:$0x0]  }
0x2: {  	s7 =	rddreg [dreg:$0x1]  }
0x3: {  	s3 =	rddreg [dreg:$0x2]  }
0x4: {  	s4 =	rddreg [dreg:$0x3];
	s5 =	simm.s32 $0x0;
	s0 =	stileid.u32  }
0x5: {  	s9 =	srdreg.scid;
	s18 =	simm.s32 $0x15600;
	s6 =	smul.u32 $0xA00, s0  }
0x6: {  	s19 =	simm.s32 $0x16B20;
	s22 =	simm.s32 $0x8;
	s8 =	smul.u32 $0x9C40, s0  }
0x7: {  	s23 =	simm.s32 $0x4;
	s24 =	simm.s32 $0x0;
	s25 =	smul.u32 $0x13880, s0  }
0x8: {  	[smem:$0x7FF] =	sst s5;
	s21 =	sand.u32 $0x1, s9;
	s28 =	smul.u32 $0x1388, s0  }
0x9: {  	s31 =	sshll.u32 s0, $0x6;
	_ =	strace $0x80000047;
	s10 =	sshll.u32 s21, $0x6  }
0xa: {  	s12 =	ssub.s32 $0x2, s21;
	p0 =	seq.s32 s21, $0x0;
	s15 =	sadd.s32 s6, s7  }
0xb: {  	s26 =	sshrl.u32 s8, $0x4;
	s9 =	sor.u32 s10, s25;
	s6 =	sadd.s32 $0x33600, s7  }
0xc: {  	s29 =	sshrl.u32 s28, $0x3;
	s14 =	sshrl.u32 s12, $0x1;
	s30 =	sshrl.u32 s8, $0x1  }
0xd: {  	s8 =	sor.u32 $0x1C03, s31;
	s10 =	sadd.s32 s28, s4;
	s18 =	simm.s32 @!p0 $0x29600  }
0xe: {  	p0 =	sne.s32 s21, $0x0;
	s21 =	simm.s32 $0x1;
	s11 =	sadd.s32 s26, s7  }
0xf: {  	s9 =	sshrl.u32 s9, $0x4;
	s16 =	sadd.s32 s29, s7;
	s14 =	ssub.s32 s12, s14  }
0x10: {  	s17 =	sadd.s32 s30, s3;
	s20 =	sshrl.u32 s10, $0x3;
	s13 =	sadd.s32 s9, s7  }
0x11: {  	s7 =	sadd.s32 $0x1C00, s11;
	s9 =	sadd.s32 $0x1F600, s15;
	s11 =	sadd.s32 $0x33800, s16  }
0x12: {  	s14 =	smax.u32 s14, $0x1;
	s15 =	sadd.s32 s18, s15;
	s12 =	sadd.s32 $0x36000, s13  }
0x13: {  	s13 =	sadd.s32 $0x49A00, s16;
	s16 =	sshrl.u32 s17, $0x3;
	s17 =	simm.s32 $0x3  }
.LBB2_1:
0x14: {  	[spmem:s16], [sflag:s8] =	dma.local [hbm:s7], $0x9C4  }
0x15: {  	_ =	swait.ge [sflag:s17], $0x9C4  }
0x16: {  	[sflag:s17] =	ssyncset.done $0x0  }
0x17: {  	[sflag:s17] =	ssyncadd.s32 $0xFFFFF63C  }
0x18: {  	[tilespmem:s5], [sflag:$0x3] =	stream.linear.gather [hbm4b:s15+s5], $0x5000, $0x38;
	[tilespmem:$0x18290] =	vst v63  }
0x19: {  	_ =	swait.ge [sflag:s17], $0x5000  }
0x1a: {  	[sflag:s17] =	ssyncset.done $0x0  }
0x1b: {  	s0 =	simm.s32 $0x5000;
	[sflag:s17] =	ssyncadd.s32 $0xFFFFB000  }
0x1c: {  	[tilespmem:s0], [sflag:$0x3] =	stream.linear.gather [hbm4b:s9+s5], $0x5000, $0x38;
	[tilespmem:$0x18290] =	vst v63  }
0x1d: {  	_ =	swait.ge [sflag:s17], $0x5000  }
0x1e: {  	[sflag:s17] =	ssyncset.done $0x0  }
0x1f: {  	[sflag:s17] =	ssyncadd.s32 $0xFFFFB000  }
0x20: {  	[tilespmem:s19], [sflag:$0x3] =	stream.linear.gather [hbm4b:s6+s5], $0x3E8, $0x38;
	[tilespmem:$0x18290] =	vst v63  }
0x21: {  	_ =	swait.ge [sflag:s17], $0x3E8  }
0x22: {  	p1 =	por $0x0, $0x0;
	[sflag:s17] =	ssyncset.done $0x0  }
0x23: {  	s26 =	simm.s32 $0xFFFFFFFD;
	s25 =	sand.u32 @!p1 $0x7, s5;
	[sflag:s17] =	ssyncadd.s32 $0xFFFFFC18  }
0x24: {  	[spmem:s20], [sflag:s8] =	dma.local [hbm:s11], $0x271  }
0x25: {  	p3 =	por $0x1, $0x1;
	s25 =	smul.u32 @!p1 $0x3E80, s25;
	_ =	swait.ge [sflag:s17], $0x271  }
0x26: {  	s26 =	sand.u32 @!p3 $0x7, s26;
	s28 =	simm.s32 @!p1 $0x7D;
	[sflag:s17] =	ssyncset.done $0x0  }
0x27: {  	s29 =	simm.s32 @!p3 $0x1;
	s25 =	sshrl.u32 @!p1 s25, $0x2;
	[sflag:s17] =	ssyncadd.s32 $0xFFFFFD8F  }
0x28: {  	s26 =	smul.u32 @!p3 $0x3E80, s26;
	s25 =	sadd.s32 @!p1 $0xA000, s25;
	[bflag:$0x0] =	sbarrier.arrive $0xFFFF  }
0x29: {  	[tilespmem:s25], [sflag:$0x1] =	stream.indirect.gather @!p1 [hbm4b:s1+s28], $0x20, s5, s28, $0xb8;
	[tilespmem:$0x18290] =	vst v63  }
0x2a: {  	_ =	swait.ge @!p3 [sflag:s29], $0xFA0  }
0x2b: {  	s28 =	simm.s32 $0x4E80;
	s25 =	sshrl.u32 @!p3 s26, $0x2;
	[sflag:s29] =	ssyncset.done @!p3 $0x0  }
0x2c: {  	s26 =	simm.s32 @!p3 $0x7D;
	s25 =	sadd.s32 @!p3 $0xA000, s25;
	[sflag:s29] =	ssyncadd.s32 @!p3 $0xFFFFF060  }
0x2d: {  	[spmem:s3] =	stream.indirect.scatter.add.bf16 @!p3 [tilespmem:s25], [sflag:$0x2], $0x20, s28, s26, $0xb8;
	[tilespmem:$0x18290] =	vst v63  }
0x2e: {  	p2 =	por $0x1, $0x1;
	s31 =	simm.s32 @!p3 $0x3;
	s29 =	simm.s32 @!p3 $0x16B20  }
0x2f: {  	[spmem:s4] =	stream.indirect.scatter.add.f32 @!p3 [tilespmem:s29], [sflag:$0x3], $0x8, s28, s26, $0xb8;
	[tilespmem:$0x18290] =	vst v63  }
0x30: {  	s30 =	simm.s32 @!p2 $0x2;
	p1 =	por $0x0, $0x0;
	_ =	swait.ge @!p3 [sflag:s31], $0x3E8  }
0x31: {  	s25 =	simm.s32 $0x1;
	s29 =	simm.s32 $0x2;
	[sflag:s31] =	ssyncset.done @!p3 $0x0  }
0x32: {  	s28 =	sand.u32 @!p1 $0x7, s25;
	s26 =	simm.s32 $0x4F00;
	[sflag:s31] =	ssyncadd.s32 @!p3 $0xFFFFFC18  }
0x33: {  	s31 =	smul.u32 @!p1 $0x3E80, s28;
	s28 =	simm.s32 $0x80;
	_ =	swait.ge @!p2 [sflag:s30], $0x1F4  }
.LBB2_2:
0x34: {  	s0 =	sadd.s32 $0xFFFFFFFD, s25  }
0x35: {  	[sflag:s30] =	ssyncset.done @!p2 $0x0;
	s2 =	smov.u32 s29;
	s29 =	sadd.s32 $0x1, s29  }
0x36: {  	s31 =	sshrl.u32 @!p1 s31, $0x2;
	p3 =	sgt.u32 s0, $0x9F;
	[sflag:s30] =	ssyncadd.s32 @!p2 $0xFFFFFE0C  }
0x37: {  	s30 =	sadd.s32 @!p1 $0xA000, s31;
	s31 =	simm.s32 @!p1 $0x7D;
	s0 =	sand.u32 @!p3 $0x7, s0  }
0x38: {  	p4 =	sne.s32 s29, $0xA7;
	s18 =	simm.s32 @!p3 $0x1;
	s0 =	smul.u32 @!p3 $0x3E80, s0  }
0x39: {  	[tilespmem:s30], [sflag:$0x1] =	stream.indirect.gather @!p1 [hbm4b:s1+s31], $0x20, s28, s31, $0xb8;
	[tilespmem:$0x18290] =	vst v63  }
0x3a: {  	_ =	swait.ge @!p3 [sflag:s18], $0xFA0;
	s0 =	sshrl.u32 @!p3 s0, $0x2  }
0x3b: {  	s30 =	simm.s32 @!p3 $0x7D;
	[sflag:s18] =	ssyncset.done @!p3 $0x0;
	s0 =	sadd.s32 @!p3 $0xA000, s0  }
0x3c: {  	[sflag:s18] =	ssyncadd.s32 @!p3 $0xFFFFF060;
	s18 =	simm.s32 @!p3 $0x16B20  }
0x3d: {  	[spmem:s3] =	stream.indirect.scatter.add.bf16 @!p3 [tilespmem:s0], [sflag:$0x2], $0x20, s26, s30, $0xb8;
	[tilespmem:$0x18290] =	vst v63  }
0x3e: {  	s0 =	simm.s32 @!p3 $0x3  }
0x3f: {  	[spmem:s4] =	stream.indirect.scatter.add.f32 @!p3 [tilespmem:s18], [sflag:$0x3], $0x8, s26, s30, $0xb8;
	[tilespmem:$0x18290] =	vst v63  }
.Ltmp0:
0x40: {  	_ = 	snop;
	(pc) =	sbr.rel @p4 .LBB2_2-.Ltmp0, $4  }
0x41: {  	p2 =	slt.u32 s25, $0x7;
	s25 =	smov.u32 s2;
	_ =	swait.ge @!p3 [sflag:s0], $0x3E8  }
0x42: {  	p1 =	sgt.u32 s25, $0x9F;
	s30 =	simm.s32 @!p2 $0x2;
	[sflag:s0] =	ssyncset.done @!p3 $0x0  }
0x43: {  	s2 =	sand.u32 @!p1 $0x7, s25;
	s26 =	sadd.s32 $0x80, s26;
	[sflag:s0] =	ssyncadd.s32 @!p3 $0xFFFFFC18  }
0x44: {  	s28 =	sadd.s32 $0x80, s28;
	s31 =	smul.u32 @!p1 $0x3E80, s2;
	_ =	swait.ge @!p2 [sflag:s30], $0x1F4  }
0x45: {  	s0 =	sadd.s32 $0xFFFFFFFD, s25  }
0x46: {  	[sflag:s30] =	ssyncset.done @!p2 $0x0;
	s18 =	simm.s32 @!p1 $0x7D;
	p3 =	sgt.u32 s0, $0x9F  }
0x47: {  	s2 =	sshrl.u32 @!p1 s31, $0x2;
	[sflag:s30] =	ssyncadd.s32 @!p2 $0xFFFFFE0C;
	s0 =	sand.u32 @!p3 $0x7, s0  }
0x48: {  	s2 =	sadd.s32 @!p1 $0xA000, s2;
	s29 =	simm.s32 @!p3 $0x1;
	s0 =	smul.u32 @!p3 $0x3E80, s0  }
0x49: {  	[tilespmem:s2], [sflag:$0x1] =	stream.indirect.gather @!p1 [hbm4b:s1+s18], $0x20, s28, s18, $0xb8;
	[tilespmem:$0x18290] =	vst v63  }
0x4a: {  	_ =	swait.ge @!p3 [sflag:s29], $0xFA0  }
0x4b: {  	s0 =	sshrl.u32 @!p3 s0, $0x2;
	[sflag:s29] =	ssyncset.done @!p3 $0x0  }
0x4c: {  	s2 =	simm.s32 @!p3 $0x7D;
	s0 =	sadd.s32 @!p3 $0xA000, s0;
	[sflag:s29] =	ssyncadd.s32 @!p3 $0xFFFFF060  }
0x4d: {  	[spmem:s3] =	stream.indirect.scatter.add.bf16 @!p3 [tilespmem:s0], [sflag:$0x2], $0x20, s26, s2, $0xb8;
	[tilespmem:$0x18290] =	vst v63  }
0x4e: {  	s18 =	simm.s32 @!p3 $0x3;
	s0 =	simm.s32 @!p3 $0x16B20  }
0x4f: {  	[spmem:s4] =	stream.indirect.scatter.add.f32 @!p3 [tilespmem:s0], [sflag:$0x3], $0x8, s26, s2, $0xb8;
	[tilespmem:$0x18290] =	vst v63  }
0x50: {  	_ =	swait.ge @!p3 [sflag:s18], $0x3E8  }
0x51: {  	p1 =	slt.u32 s25, $0x7;
	[sflag:s18] =	ssyncset.done @!p3 $0x0  }
0x52: {  	s0 =	simm.s32 @!p1 $0x2;
	[sflag:s18] =	ssyncadd.s32 @!p3 $0xFFFFFC18  }
0x53: {  	_ =	swait.ge @!p1 [sflag:s0], $0x1F4  }
0x54: {  	[sflag:s0] =	ssyncset.done @!p1 $0x0  }
0x55: {  	[sflag:s0] =	ssyncadd.s32 @!p1 $0xFFFFFE0C  }
0x56: {  	[bflag:$0x0] =	sbarrier.arrive $0xFFFF  }
0x57: {  	[hbm:s12@s22], [sflag:s8] =	dma.strided [spmem:s16@s23], $0x9C4, s21, $0x4   }
0x58: {  	_ =	swait.ge [sflag:s17], $0x9C4  }
0x59: {  	s24 =	sadd.s32 $0x1, s24;
	[sflag:s17] =	ssyncset.done $0x0  }
0x5a: {  	s0 =	sshrl.u32 @!p0 s10, $0x3;
	p1 =	sne.s32 s24, s14;
	[sflag:s17] =	ssyncadd.s32 $0xFFFFF63C  }
0x5b: {  	[hbm:s13], [sflag:s8] =	dma.local @!p0 [spmem:s0], $0x271  }
.Ltmp1:
0x5c: {  	_ = 	snop;
	(pc) =	sbr.rel @p1 .LBB2_1-.Ltmp1, $4  }
0x5d: {  	s0 =	simm.s32 @!p0 $0x3  }
0x5e: {  	_ =	swait.ge @!p0 [sflag:s0], $0x271  }
0x5f: {  	[sflag:s0] =	ssyncset.done @!p0 $0x0  }
0x60: {  	[sflag:s0] =	ssyncadd.s32 @!p0 $0xFFFFFD8F  }
0x61: {  	_ =	sfence.sel $0x180000  }
0x62: {  	[bflag:$0x0] =	sbarrier.arrive $0xFFFF  }
0x63: {  	_ =	strace $0x90000047  }
0x64: {  	s0 =	stileid.u32;
	[bflag:$0x2] =	sbarrier.arrive $0xFFFF  }
0x65: {  	p0 =	sne.s32 s0, $0x0;
	s0 =	rddreg [dreg:$0x4]  }
0x66: {  	s0 =	sadd.s32 @!p0 $0x100000, s0  }
0x67: {  	[sflag:s0] =	ssyncadd.tile.s32 @!p0 $0x1;
	_ =	shalt  }
.Lfunc_end2:
_tile_overlayer_lowered:
.L_overlay_start_2:
0x68: {  	(tag) =	ssettag $0x2  }
0x69: {  	s0 =	rddreg [dreg:$0x0];
	s2 =	stileid.u32  }
0x6a: {  	s1 =	rddreg [dreg:$0x1];
	p0 =	sne.s32 s2, $0x0  }
0x6b: {  	s3 =	rddreg [dreg:$0x2];
	[bflag:$0x3] =	sbarrier.arrive $0xFFFF;
	s2 =	simm.s32 @!p0 $0x1C03  }
0x6c: {  	[timem:s3], [sflag:s2] =	dma.local @!p0 [hbm:s0], s1  }
0x6d: {  	s0 =	simm.s32 @!p0 $0x3  }
0x6e: {  	_ =	swait.ge @!p0 [sflag:s0], s1  }
0x6f: {  	s1 =	ssub.s32 @!p0 $0x0, s1;
	[sflag:s0] =	ssyncset.done @!p0 $0x0  }
0x70: {  	[sflag:s0] =	ssyncadd.s32 @!p0 s1  }
0x71: {  	[bflag:$0x3] =	sbarrier.arrive $0xFFFF  }
0x72: {  	_ =	shalt  }

// kernel: kernel.9.cloned.1.call-start
scs
__scs_entry_jumppad:
0x0: {  	(pc) =	sbr.rel $0x88, $3  }
0x1: {  	(tag) =	ssettag $0x0;
	lr =	simm.s32 $0x1  }
0x2: {  	[smem:$0x3F97] =	sst lr;
	_ =	strace $0xD0000000  }
0x3: {  	_ = 	snop  }
0x4: {  	_ = 	snop  }
0x5: {  	_ = 	snop  }
0x6: {  	_ = 	snop  }
0x7: {  	_ = 	snop  }
__scs_overlays_trampoline_lowered:
0x8: {  	[smem:$0x3FA6] =	sst s0  }
0x9: {  	[smem:$0x3FA7] =	sst s1  }
0xa: {  	[smem:$0x3FA8] =	sst s2  }
0xb: {  	[smem:$0x3FA9] =	sst s3  }
0xc: {  	[smem:$0x3FAA] =	sst s4  }
0xd: {  	[smem:$0x3FAB] =	sst s5  }
0xe: {  	[smem:$0x3FAC] =	sst s6  }
0xf: {  	[smem:$0x3FAD] =	sst s7  }
0x10: {  	[smem:$0x3FAE] =	sst s8  }
0x11: {  	[smem:$0x3FAF] =	sst s9;
	s0 =	simm.s32 @!p0 $0x0  }
0x12: {  	s1 =	sld [smem:$0x3F95];
	s0 =	simm.s32 @p0 $0x1  }
0x13: {  	[smem:$0x3FB0] =	sst s0;
	s0 =	simm.s32 @!p1 $0x0  }
0x14: {  	s2 =	sld [smem:$0x3F94];
	s0 =	simm.s32 @p1 $0x1  }
0x15: {  	[smem:$0x3FB1] =	sst s0;
	s0 =	simm.s32 @!p2 $0x0  }
0x16: {  	s3 =	sld [smem:$0x3FDB];
	s0 =	simm.s32 @p2 $0x1  }
0x17: {  	s4 =	simm.s32 $0x1BF5;
	[smem:$0x3FB3] =	sst s0  }
0x18: {  	s0 =	sld [smem:$0x3F96];
	_ =	swait.ge [sflag:s4], $0x0  }
0x19: {  	s7 =	sld [smem:$0x3F97]  }
0x1a: {  	s8 =	sadd.s32 $0xFFFFE003, lr  }
0x1b: {  	s9 =	sadd.s32 $0xFFFFFEF7, lr;
	s5 =	simm.s32 $0xFFFFFFFF;
	p2 =	slt.u32 s8, $0xFFFFF086  }
0x1c: {  	p1 =	slt.u32 s9, $0xF7A;
	s5 =	simm.s32 @!p2 $0x0  }
0x1d: {  	s5 =	simm.s32 @p1 $0x1;
	p0 =	seq.s32 s7, s2  }
0x1e: {  	s7 =	smul.u32 @!p0 $0xF7A, s2;
	p2 =	seq.s32 @!p0 s5, $0x0  }
0x1f: {  	s9 =	smul.u32 $0xF7A, s1;
	s8 =	simm.s32 @!p0 $0x1BF5;
	p2 =	por !p2, p0  }
0x20: {  	[sflag:s8] =	ssyncset.s32 @!p0 $0xFFFFF086;
	s6 =	sadd.s32 @!p0 s3, s7;
	s7 =	simm.s32 @!p0 $0x108  }
0x21: {  	s3 =	sadd.s32 s3, s9;
	s6 =	sadd.s32 @!p0 $0x88, s6;
	s7 =	simm.s32 @p2 $0x1082  }
0x22: {  	[simem:s7], [sflag:s8] =	dma.local @!p0 [hbm:s6], $0xF7A  }
0x23: {  	s9 =	sor.u32 $0xD0000000, s2;
	s6 =	simm.s32 $0x108;
	_ =	swait.ge @!p0 [sflag:s8], $0x0  }
0x24: {  	s3 =	sadd.s32 $0x88, s3;
	s6 =	simm.s32 @!p1 $0x1082;
	[sflag:s4] =	ssyncset.s32 $0xFFFFF086  }
0x25: {  	[simem:s6], [sflag:s4] =	dma.local [hbm:s3], $0xF7A  }
0x26: {  	[smem:$0x3F97] =	sst s1;
	(tag) =	ssettag s2;
	_ =	strace s9  }
0x27: {  	s1 =	sld [smem:$0x3FA7]  }
0x28: {  	s2 =	sld [smem:$0x3FA8]  }
0x29: {  	s4 =	sld [smem:$0x3FAA]  }
0x2a: {  	p0 =	seq.s32 s5, $0x0;
	s5 =	sld [smem:$0x3FAB]  }
0x2b: {  	s6 =	sld [smem:$0x3FAC]  }
0x2c: {  	s7 =	sld [smem:$0x3FAD]  }
0x2d: {  	s3 =	simm.s32 $0x108;
	s8 =	sld [smem:$0x3FAE]  }
0x2e: {  	s3 =	simm.s32 @!p0 $0x1082;
	s9 =	sld [smem:$0x3FAF]  }
0x2f: {  	lr =	sadd.s32 s0, s3;
	s0 =	sld [smem:$0x3FA6]  }
0x30: {  	s3 =	sld [smem:$0x3FA9]  }
0x31: {  	[smem:$0x3FB2] =	sst s10  }
0x32: {  	s10 =	sld [smem:$0x3FB0];
	_ =	sdelay $0x3  }
0x33: {  	p0 =	seq.s32 s10, $0x1;
	s10 =	sld [smem:$0x3FB2];
	_ =	sdelay $0x3  }
0x34: {  	[smem:$0x3FB2] =	sst s10  }
0x35: {  	s10 =	sld [smem:$0x3FB1];
	_ =	sdelay $0x3  }
0x36: {  	p1 =	seq.s32 s10, $0x1;
	s10 =	sld [smem:$0x3FB2];
	_ =	sdelay $0x3  }
0x37: {  	[smem:$0x3FB2] =	sst s10  }
0x38: {  	s10 =	sld [smem:$0x3FB3]  }
0x39: {  	_ = 	snop;
	(pc) =	sbr.ind lr, $3  }
0x3a: {  	_ = 	snop  }
0x3b: {  	_ = 	snop  }
0x3c: {  	p2 =	seq.s32 s10, $0x1;
	s10 =	sld [smem:$0x3FB2]  }
0x3d: {  	_ =	shalt  }
0x3e: {  	_ =	shalt  }
0x3f: {  	_ =	shalt  }
0x40: {  	_ =	shalt  }
0x41: {  	_ =	shalt  }
0x42: {  	_ =	shalt  }
0x43: {  	_ =	shalt  }
0x44: {  	_ =	shalt  }
0x45: {  	_ =	shalt  }
0x46: {  	_ =	shalt  }
0x47: {  	_ =	shalt  }
0x48: {  	_ =	shalt  }
0x49: {  	_ =	shalt  }
0x4a: {  	_ =	shalt  }
0x4b: {  	_ =	shalt  }
0x4c: {  	_ =	shalt  }
0x4d: {  	_ =	shalt  }
0x4e: {  	_ =	shalt  }
0x4f: {  	_ =	shalt  }
0x50: {  	_ =	shalt  }
0x51: {  	_ =	shalt  }
0x52: {  	_ =	shalt  }
0x53: {  	_ =	shalt  }
0x54: {  	_ =	shalt  }
0x55: {  	_ =	shalt  }
0x56: {  	_ =	shalt  }
0x57: {  	_ =	shalt  }
0x58: {  	_ =	shalt  }
0x59: {  	_ =	shalt  }
0x5a: {  	_ =	shalt  }
0x5b: {  	_ =	shalt  }
0x5c: {  	_ =	shalt  }
0x5d: {  	_ =	shalt  }
0x5e: {  	_ =	shalt  }
0x5f: {  	_ =	shalt  }
0x60: {  	_ =	shalt  }
0x61: {  	_ =	shalt  }
0x62: {  	_ =	shalt  }
0x63: {  	_ =	shalt  }
0x64: {  	_ =	shalt  }
0x65: {  	_ =	shalt  }
0x66: {  	_ =	shalt  }
0x67: {  	_ =	shalt  }
0x68: {  	_ =	shalt  }
0x69: {  	_ =	shalt  }
0x6a: {  	_ =	shalt  }
0x6b: {  	_ =	shalt  }
0x6c: {  	_ =	shalt  }
0x6d: {  	_ =	shalt  }
0x6e: {  	_ =	shalt  }
0x6f: {  	_ =	shalt  }
0x70: {  	_ =	shalt  }
0x71: {  	_ =	shalt  }
0x72: {  	_ =	shalt  }
0x73: {  	_ =	shalt  }
0x74: {  	_ =	shalt  }
0x75: {  	_ =	shalt  }
0x76: {  	_ =	shalt  }
0x77: {  	_ =	shalt  }
0x78: {  	_ =	shalt  }
0x79: {  	_ =	shalt  }
0x7a: {  	_ =	shalt  }
0x7b: {  	_ =	shalt  }
0x7c: {  	_ =	shalt  }
0x7d: {  	_ =	shalt  }
0x7e: {  	_ =	shalt  }
0x7f: {  	_ =	shalt  }
0x80: {  	_ =	shalt  }
0x81: {  	_ =	shalt  }
0x82: {  	_ =	shalt  }
0x83: {  	_ =	shalt  }
0x84: {  	_ =	shalt  }
0x85: {  	_ =	shalt  }
0x86: {  	_ =	shalt  }
0x87: {  	_ =	shalt  }
.Lfunc_end0:
.L_simem_size_0:
called_computation.1_lowered:
.L_overlay_start_0:
0x88: {  	s2 =	sld [smem:$0x3FD9]  }
0x89: {  	s3 =	sld [smem:$0x3FFE];
	_ =	sdelay $0x1  }
0x8a: {  	s1 =	srdreg.scid  }
0x8b: {  	s0 =	sand.u32 $0x1, s1  }
0x8c: {  	s17 =	sshll.u32 s0, $0xA;
	s2 =	sadd.s32 s3, s2  }
0x8d: {  	s2 =	sadd.s32 s2, s17  }
0x8e: {  	[smem:$0x3FBE] =	sst s2  }
0x8f: {  	_ = 	snop  }
0x90: {  	s2 =	sld [smem:$0x3FD0];
	(tm) =	ssettm $0x1  }
0x91: {  	s18 =	sld [smem:$0x3FFB];
	_ =	sdelay $0x3  }
0x92: {  	_ =	strace s18  }
0x93: {  	s3 =	sld [smem:$0x3FFC];
	_ =	sdelay $0x3  }
0x94: {  	_ =	strace s3  }
0x95: {  	s3 =	sld [smem:$0x3FFD];
	_ =	sdelay $0x3  }
0x96: {  	_ =	strace s3  }
0x97: {  	_ =	strace $0x8FFFFFFF  }
0x98: {  	s19 =	sld [smem:$0x3FDB];
	_ =	sdelay $0x1  }
0x99: {  	s4 =	simm.s32 $_scs_section_size  }
0x9a: {  	s5 =	simm.s32 $_size__tile_overlayer_lowered;
	s6 =	simm.s32 $_tile_overlayer_lowered  }
0x9b: {  	s22 =	simm.s32 $0x1BFF;
	s21 =	sshll.u32 s6, $0x1;
	s3 =	sadd.s32 s4, s19  }
0x9c: {  	s7 =	simm.s32 $0x0;
	s20 =	sshll.u32 s5, $0x1;
	s5 =	sadd.s32 s21, s3  }
0x9d: {  	[timem:s7], [sflag:s22] =	dma.local [hbm:s5], s20  }
0x9e: {  	_ =	swait.ge [sflag:s22], s20  }
0x9f: {  	s4 =	ssub.s32 $0x0, s20;
	[sflag:s22] =	ssyncset.done $0x0  }
0xa0: {  	[sflag:s22] =	ssyncadd.s32 s4;
	_ =	sdelay $0x1  }
0xa1: {  	s23 =	simm.s32 $0x1B8B  }
0xa2: {  	_ =	swait.ge [sflag:s23], $0x1  }
0xa3: {  	[sflag:s23] =	ssyncset.done $0x0  }
0xa4: {  	s25 =	simm.s32 $0x1B8E;
	s24 =	sld [smem:$0x3FFE];
	[sflag:s23] =	ssyncadd.s32 $0xFFFFFFFF  }
0xa5: {  	s26 =	simm.s32 $execute0_lowered;
	[smem:$0x3FD2] =	sst s25  }
0xa6: {  	s5 =	sshll.u32 s26, $0x1;
	_ =	strace $0x80000049;
	[dreg:$0x1] =	wrdreg $0xFFFFFFFF  }
0xa7: {  	s28 =	simm.s32 $_size_execute0_lowered;
	s3 =	sadd.s32 s3, s5;
	[dreg:$0x0] =	wrdreg $0x0  }
0xa8: {  	s5 =	sshll.u32 s28, $0x1;
	[dreg:$0x2] =	wrdreg s3  }
0xa9: {  	[dreg:$0x3] =	wrdreg s5  }
0xaa: {  	[dreg:$0x4] =	wrdreg $0xC0  }
0xab: {  	_ =	task [dreg:s7], $0x5FFFF  }
0xac: {  	[dreg:$0x1] =	wrdreg $0xFFFFFFFF  }
0xad: {  	[dreg:$0x0] =	wrdreg $0x60  }
0xae: {  	[dreg:$0x2] =	wrdreg s2  }
0xaf: {  	[dreg:$0x3] =	wrdreg s24  }
0xb0: {  	[dreg:$0x4] =	wrdreg $0x11D000  }
0xb1: {  	[dreg:$0x5] =	wrdreg $0x9  }
0xb2: {  	_ =	task.clear_ibuf [dreg:s7], $0x6FFFF;
	_ =	strace $0x90000049  }
0xb3: {  	s29 =	simm.s32 $0x9;
	_ =	strace $0x8000004B  }
0xb4: {  	_ =	swait.ge [sflag:s29], $0x1  }
0xb5: {  	[sflag:s29] =	ssyncadd.s32 $0xFFFFFFFF  }
0xb6: {  	_ =	strace $0x9000004B  }
0xb7: {  	_ =	sfence  }
0xb8: {  	s30 =	sld [smem:$0x0];
	_ =	sdelay $0x2  }
0xb9: {  	s31 =	sshll.u32 s1, $0xD;
	s1 =	sshrl.u32 s1, $0x2  }
0xba: {  	s3 =	sand.u32 $0x4000, s31;
	s1 =	sadd.s32 s1, s30  }
0xbb: {  	s0 =	sor.u32 s3, s0;
	s1 =	sshll.u32 s1, $0x11  }
0xbc: {  	s0 =	sor.u32 s1, s0  }
0xbd: {  	s0 =	sadd.s32 $0x8F2B, s0  }
0xbe: {  	[sflag:s0] =	ssyncadd.remote.s32 $0x1  }
0xbf: {  	_ =	sfence.sel $0xFFFF  }
0xc0: {  	[dreg:$0x0] =	wrdreg $0xFFFFFFFF;
	(pc) =	sbr.abs _section_cstart, $3  }
0xc1: {  	[dreg:$0x1] =	wrdreg $0xFFFFFFFF  }
0xc2: {  	_ =	task.clear_ibuf [dreg:s7], $0x2FFFF;
	_ =	strace $0x9FFFFFFF  }
0xc3: {  	(tm) =	ssettm $0x7FFFFFFF  }
tec
execute0_lowered:
.L_overlay_start_1:
0x0: {  	(tag) =	ssettag $0x1  }
0x1: {  	s2 =	rddreg [dreg:$0x0]  }
0x2: {  	s5 =	rddreg [dreg:$0x1]  }
0x3: {  	s3 =	rddreg [dreg:$0x2]  }
0x4: {  	s1 =	stileid.u32;
	s0 =	rddreg [dreg:$0x3];
	s4 =	simm.s32 $0x0  }
0x5: {  	s8 =	srdreg.scid;
	s14 =	simm.s32 $0x1;
	s15 =	simm.s32 $0x8  }
0x6: {  	s16 =	simm.s32 $0x4;
	s17 =	simm.s32 $0x0;
	s6 =	smul.u32 $0xA00, s1  }
0x7: {  	s7 =	smul.u32 $0x9C40, s1;
	[smem:$0x7FF] =	sst s4;
	s8 =	sand.u32 $0x1, s8  }
0x8: {  	s9 =	smul.u32 $0x13880, s1;
	s31 =	sshll.u32 s1, $0x6;
	_ =	strace $0x8000004A  }
0x9: {  	s26 =	sshll.u32 s8, $0x6;
	s28 =	ssub.s32 $0x2, s8;
	p0 =	seq.s32 s8, $0x1  }
0xa: {  	s10 =	sadd.s32 s6, s5;
	s11 =	sshrl.u32 s7, $0x4;
	s6 =	sor.u32 s26, s9  }
0xb: {  	s12 =	sshrl.u32 s28, $0x1;
	s29 =	sshrl.u32 s7, $0x1;
	s11 =	sadd.s32 s11, s5  }
0xc: {  	s6 =	sshrl.u32 s6, $0x4;
	s9 =	ssub.s32 s28, s12;
	s30 =	sadd.s32 s29, s3  }
0xd: {  	s7 =	sadd.s32 $0x1F600, s10;
	s12 =	simm.s32 $0x3;
	s13 =	sadd.s32 s6, s5  }
0xe: {  	s5 =	sadd.s32 $0x1C00, s11;
	s6 =	sor.u32 $0x1C03, s31;
	s11 =	simm.s32 $0x29600  }
0xf: {  	s9 =	smax.u32 s9, $0x1;
	s8 =	sadd.s32 $0x36000, s13;
	s11 =	simm.s32 @!p0 $0x15600  }
0x10: {  	s13 =	simm.s32 $0x5000;
	s10 =	sadd.s32 s11, s10;
	s11 =	sshrl.u32 s30, $0x3  }
.LBB2_1:
0x11: {  	[spmem:s11], [sflag:s6] =	dma.local [hbm:s5], $0x9C4  }
0x12: {  	_ =	swait.ge [sflag:s12], $0x9C4  }
0x13: {  	[sflag:s12] =	ssyncset.done $0x0  }
0x14: {  	[sflag:s12] =	ssyncadd.s32 $0xFFFFF63C  }
0x15: {  	[tilespmem:s4], [sflag:$0x3] =	stream.linear.gather [hbm4b:s10+s4], $0x5000, $0x38;
	[tilespmem:$0x16B20] =	vst v63  }
0x16: {  	_ =	swait.ge [sflag:s12], $0x5000  }
0x17: {  	p1 =	por $0x0, $0x0;
	s19 =	simm.s32 $0xFFFFFFFD;
	[sflag:s12] =	ssyncset.done $0x0  }
0x18: {  	p0 =	por $0x1, $0x1;
	s18 =	sand.u32 @!p1 $0x7, s4;
	[sflag:s12] =	ssyncadd.s32 $0xFFFFB000  }
0x19: {  	[tilespmem:s13], [sflag:$0x3] =	stream.linear.gather [hbm4b:s7+s4], $0x5000, $0x38;
	[tilespmem:$0x16B20] =	vst v63  }
0x1a: {  	s21 =	simm.s32 $0x4E80;
	s18 =	smul.u32 @!p1 $0x3E80, s18;
	_ =	swait.ge [sflag:s12], $0x5000  }
0x1b: {  	s19 =	sand.u32 @!p0 $0x7, s19;
	s20 =	simm.s32 @!p1 $0x7D;
	[sflag:s12] =	ssyncset.done $0x0  }
0x1c: {  	s22 =	simm.s32 @!p0 $0x1;
	s18 =	sshrl.u32 @!p1 s18, $0x2;
	[sflag:s12] =	ssyncadd.s32 $0xFFFFB000  }
0x1d: {  	s19 =	smul.u32 @!p0 $0x3E80, s19;
	s18 =	sadd.s32 @!p1 $0xA000, s18;
	[bflag:$0x0] =	sbarrier.arrive $0xFFFF  }
0x1e: {  	[tilespmem:s18], [sflag:$0x1] =	stream.indirect.gather @!p1 [hbm4b:s2+s20], $0x20, s4, s20, $0xb8;
	[tilespmem:$0x16B20] =	vst v63  }
0x1f: {  	s23 =	simm.s32 @!p0 $0x7D;
	s19 =	sshrl.u32 @!p0 s19, $0x2;
	_ =	swait.ge @!p0 [sflag:s22], $0xFA0  }
0x20: {  	s19 =	sadd.s32 @!p0 $0xA000, s19;
	s18 =	simm.s32 $0x1;
	[sflag:s22] =	ssyncset.done @!p0 $0x0  }
0x21: {  	s20 =	simm.s32 $0x2;
	p1 =	por $0x1, $0x1;
	[sflag:s22] =	ssyncadd.s32 @!p0 $0xFFFFF060  }
0x22: {  	[spmem:s3] =	stream.indirect.scatter.add.bf16 @!p0 [tilespmem:s19], [sflag:$0x2], $0x20, s21, s23, $0xb8;
	[tilespmem:$0x16B20] =	vst v63  }
0x23: {  	s22 =	simm.s32 @!p1 $0x2;
	s19 =	simm.s32 $0x4F00;
	p0 =	por $0x0, $0x0  }
0x24: {  	s21 =	simm.s32 $0x80;
	s23 =	sand.u32 @!p0 $0x7, s18;
	_ =	swait.ge @!p1 [sflag:s22], $0x1F4  }
.LBB2_2:
0x25: {  	s23 =	smul.u32 @!p0 $0x3E80, s23;
	[sflag:s22] =	ssyncset.done @!p1 $0x0;
	s24 =	smov.u32 s18  }
0x26: {  	s18 =	smov.u32 s20;
	s20 =	sadd.s32 $0x1, s20;
	s25 =	smov.u32 s19  }
0x27: {  	p2 =	sne.s32 s20, $0xA7;
	s26 =	sadd.s32 $0xFFFFFFFD, s24;
	[sflag:s22] =	ssyncadd.s32 @!p1 $0xFFFFFE0C  }
0x28: {  	s19 =	sadd.s32 $0x80, s19;
	s22 =	sshrl.u32 @!p0 s23, $0x2;
	p3 =	sgt.u32 s26, $0x9F  }
0x29: {  	s23 =	simm.s32 @!p0 $0x7D;
	s22 =	sadd.s32 @!p0 $0xA000, s22;
	s26 =	sand.u32 @!p3 $0x7, s26  }
0x2a: {  	p1 =	slt.u32 s24, $0x7;
	s28 =	simm.s32 @!p3 $0x1;
	s26 =	smul.u32 @!p3 $0x3E80, s26  }
0x2b: {  	[tilespmem:s22], [sflag:$0x1] =	stream.indirect.gather @!p0 [hbm4b:s2+s23], $0x20, s21, s23, $0xb8;
	[tilespmem:$0x16B20] =	vst v63  }
.Ltmp0:
0x2c: {  	_ =	swait.ge @!p3 [sflag:s28], $0xFA0;
	s22 =	sshrl.u32 @!p3 s26, $0x2;
	(pc) =	sbr.rel @p2 .LBB2_2-.Ltmp0, $4  }
0x2d: {  	s24 =	simm.s32 @!p3 $0x7D;
	[sflag:s28] =	ssyncset.done @!p3 $0x0;
	s23 =	sadd.s32 @!p3 $0xA000, s22  }
0x2e: {  	p0 =	sgt.u32 s18, $0x9F;
	s22 =	simm.s32 @!p1 $0x2;
	[sflag:s28] =	ssyncadd.s32 @!p3 $0xFFFFF060  }
0x2f: {  	[spmem:s3] =	stream.indirect.scatter.add.bf16 @!p3 [tilespmem:s23], [sflag:$0x2], $0x20, s25, s24, $0xb8;
	[tilespmem:$0x16B20] =	vst v63  }
0x30: {  	s21 =	sadd.s32 $0x80, s21;
	s23 =	sand.u32 @!p0 $0x7, s18;
	_ =	swait.ge @!p1 [sflag:s22], $0x1F4  }
0x31: {  	s20 =	smul.u32 @!p0 $0x3E80, s23;
	s23 =	sadd.s32 $0xFFFFFFFD, s18;
	[sflag:s22] =	ssyncset.done @!p1 $0x0  }
0x32: {  	p2 =	sgt.u32 s23, $0x9F;
	[sflag:s22] =	ssyncadd.s32 @!p1 $0xFFFFFE0C  }
0x33: {  	s20 =	sshrl.u32 @!p0 s20, $0x2;
	s22 =	sand.u32 @!p2 $0x7, s23;
	s23 =	simm.s32 @!p0 $0x7D  }
0x34: {  	s24 =	simm.s32 @!p2 $0x1;
	s20 =	sadd.s32 @!p0 $0xA000, s20;
	s22 =	smul.u32 @!p2 $0x3E80, s22  }
0x35: {  	[tilespmem:s20], [sflag:$0x1] =	stream.indirect.gather @!p0 [hbm4b:s2+s23], $0x20, s21, s23, $0xb8;
	[tilespmem:$0x16B20] =	vst v63  }
0x36: {  	p0 =	slt.u32 s18, $0x7;
	_ =	swait.ge @!p2 [sflag:s24], $0xFA0  }
0x37: {  	s20 =	sshrl.u32 @!p2 s22, $0x2;
	s21 =	simm.s32 @!p0 $0x2;
	[sflag:s24] =	ssyncset.done @!p2 $0x0  }
0x38: {  	s18 =	sadd.s32 @!p2 $0xA000, s20;
	s20 =	simm.s32 @!p2 $0x7D;
	[sflag:s24] =	ssyncadd.s32 @!p2 $0xFFFFF060  }
0x39: {  	[spmem:s3] =	stream.indirect.scatter.add.bf16 @!p2 [tilespmem:s18], [sflag:$0x2], $0x20, s19, s20, $0xb8;
	[tilespmem:$0x16B20] =	vst v63  }
0x3a: {  	_ =	swait.ge @!p0 [sflag:s21], $0x1F4  }
0x3b: {  	s17 =	sadd.s32 $0x1, s17;
	[sflag:s21] =	ssyncset.done @!p0 $0x0  }
0x3c: {  	[sflag:s21] =	ssyncadd.s32 @!p0 $0xFFFFFE0C;
	p0 =	sne.s32 s17, s9  }
.Ltmp1:
0x3d: {  	[bflag:$0x0] =	sbarrier.arrive $0xFFFF;
	(pc) =	sbr.rel @p0 .LBB2_1-.Ltmp1, $4  }
0x3e: {  	[hbm:s8@s15], [sflag:s6] =	dma.strided [spmem:s11@s16], $0x9C4, s14, $0x4   }
0x3f: {  	_ =	swait.ge [sflag:s12], $0x9C4  }
0x40: {  	[sflag:s12] =	ssyncset.done $0x0  }
0x41: {  	[sflag:s12] =	ssyncadd.s32 $0xFFFFF63C  }
0x42: {  	_ =	sfence.sel $0x180000  }
0x43: {  	[bflag:$0x0] =	sbarrier.arrive $0xFFFF  }
0x44: {  	p0 =	sne.s32 s1, $0x0;
	_ =	strace $0x9000004A  }
0x45: {  	s0 =	sadd.s32 @!p0 $0x100000, s0;
	[bflag:$0x2] =	sbarrier.arrive $0xFFFF  }
0x46: {  	[sflag:s0] =	ssyncadd.tile.s32 @!p0 $0x1;
	_ =	shalt  }
.Lfunc_end2:
_tile_overlayer_lowered:
.L_overlay_start_2:
0x47: {  	(tag) =	ssettag $0x2  }
0x48: {  	s0 =	rddreg [dreg:$0x0];
	s2 =	stileid.u32  }
0x49: {  	s1 =	rddreg [dreg:$0x1];
	p0 =	sne.s32 s2, $0x0  }
0x4a: {  	s3 =	rddreg [dreg:$0x2];
	[bflag:$0x3] =	sbarrier.arrive $0xFFFF;
	s2 =	simm.s32 @!p0 $0x1C03  }
0x4b: {  	[timem:s3], [sflag:s2] =	dma.local @!p0 [hbm:s0], s1  }
0x4c: {  	s0 =	simm.s32 @!p0 $0x3  }
0x4d: {  	_ =	swait.ge @!p0 [sflag:s0], s1  }
0x4e: {  	s1 =	ssub.s32 @!p0 $0x0, s1;
	[sflag:s0] =	ssyncset.done @!p0 $0x0  }
0x4f: {  	[sflag:s0] =	ssyncadd.s32 @!p0 s1  }
0x50: {  	[bflag:$0x3] =	sbarrier.arrive $0xFFFF  }
0x51: {  	_ =	shalt  }

</sc_bundles>
